<compile_context>
chip_gen: v7x
topology: tpu7x:2x2x1
jax: 0.10.2.dev20260603
libtpu: 0.0.44.dev20260713+nightly
codegen_flags: <defaults>
</compile_context>

<pallas_src>
import functools

import jax
import jax.numpy as jnp
import numpy as np
from jax import lax
from jax.experimental import pallas as pl
from jax.experimental.pallas import tpu as pltpu
from jax.experimental.pallas import tpu_sc as plsc

_ROWS = 64
_COLS = 8192
_KEEP = 256
_LANES = 16
_VECS = _COLS // _LANES
_NC = 2
_NS = 16
_ROWS_PER_W = _ROWS // (_NC * _NS)
_UNROLL = 8

_INT_MIN = np.int32(-2147483648)


def _order_key(b):
    return jnp.where(b >= 0, b, jnp.bitwise_xor(jnp.bitwise_not(b), _INT_MIN))


def _hsum(v):
    s = v[0]
    for lane in range(1, _LANES):
        s = s + v[lane]
    return s


def _kwta_body(in_hbm, out_hbm, row_v, key_v):
    wid = lax.axis_index("s") * _NC + lax.axis_index("c")
    zeros16 = jnp.zeros((_LANES,), jnp.int32)
    base = wid * (_ROWS_PER_W * _COLS)

    pltpu.sync_copy(in_hbm.at[pl.ds(base, _ROWS_PER_W * _COLS)], row_v)

    def map_body(j, carry):
        base16 = j * (_LANES * 2 * _UNROLL)
        for u in range(2 * _UNROLL):
            x16 = row_v[pl.ds(base16 + u * _LANES, _LANES)]
            key_v[pl.ds(base16 + u * _LANES, _LANES)] = _order_key(
                lax.bitcast_convert_type(x16, jnp.int32))
        return carry

    lax.fori_loop(0, 2 * _VECS // (2 * _UNROLL), map_body, np.int32(0))

    def bit_body(i, state):
        acca, accb, cacca, caccb = state
        bit = np.int32(1) << (np.int32(31) - i)
        ta = acca + bit
        tb = accb + bit
        done = jnp.logical_and(cacca == _KEEP, caccb == _KEEP)
        nj = jnp.where(done, np.int32(0), np.int32(_VECS // _UNROLL))

        def cnt_body(j, cc):
            ca, cb = cc
            base16 = j * (_LANES * _UNROLL)
            for u in range(_UNROLL):
                ka = key_v[pl.ds(base16 + u * _LANES, _LANES)]
                kb = key_v[pl.ds(_COLS + base16 + u * _LANES, _LANES)]
                ca = jnp.where(ka >= ta, ca + np.int32(1), ca)
                cb = jnp.where(kb >= tb, cb + np.int32(1), cb)
            return (ca, cb)

        ca, cb = lax.fori_loop(0, nj, cnt_body, (zeros16, zeros16))
        cnta = _hsum(ca)
        cntb = _hsum(cb)
        hita = jnp.logical_and(cacca != _KEEP, cnta >= _KEEP)
        hitb = jnp.logical_and(caccb != _KEEP, cntb >= _KEEP)
        return (jnp.where(hita, ta, acca),
                jnp.where(hitb, tb, accb),
                jnp.where(hita, cnta, cacca),
                jnp.where(hitb, cntb, caccb))

    thra, thrb, _, _ = lax.fori_loop(
        0, 32, bit_body,
        (_INT_MIN, _INT_MIN, np.int32(_COLS), np.int32(_COLS)))

    def mask_body(j, carry):
        base16 = j * (_LANES * _UNROLL)
        for u in range(_UNROLL):
            for half, thr in ((0, thra), (_COLS, thrb)):
                x16 = row_v[pl.ds(half + base16 + u * _LANES, _LANES)]
                k16 = key_v[pl.ds(half + base16 + u * _LANES, _LANES)]
                row_v[pl.ds(half + base16 + u * _LANES, _LANES)] = jnp.where(
                    k16 >= thr, x16, np.float32(0.0))
        return carry

    lax.fori_loop(0, _VECS // _UNROLL, mask_body, np.int32(0))

    pltpu.sync_copy(row_v, out_hbm.at[pl.ds(base, _ROWS_PER_W * _COLS)])


@functools.partial(jax.jit, static_argnums=())
def _kwta(flat):
    mesh = plsc.VectorSubcoreMesh(core_axis_name="c", subcore_axis_name="s")
    fn = functools.partial(
        pl.kernel,
        mesh=mesh,
        out_type=jax.ShapeDtypeStruct((_ROWS * _COLS,), jnp.float32),
        scratch_types=[
            pltpu.VMEM((_ROWS_PER_W * _COLS,), jnp.float32),
            pltpu.VMEM((_ROWS_PER_W * _COLS,), jnp.int32),
        ],
    )(_kwta_body)
    return fn(flat)


def kernel(inputs):
    out_flat = _kwta(inputs.reshape(-1))
    return out_flat.reshape(inputs.shape)

# --- scband reference (transcript-rebuilt; emitter-appended) ---
"""Pipeline reference for scband-k-wta-layer-24850680774662 (READ-ONLY COPY).

The authoritative reference and input builder live on the scoring server;
editing this copy changes nothing except your own understanding.
"""

import jax, jax.numpy as jnp
import numpy as np

K = 256

def setup_inputs(seed: int = 0) -> dict:
    key = jax.random.key(seed)
    inputs = jax.random.normal(key, (64, 8192), dtype=jnp.float32)
    return {"inputs": inputs}

def reference(inputs):
    # kWTA: keep only the top-k activations per row, zero the rest.
    topk_vals, _ = jax.lax.top_k(inputs, K)
    threshold = topk_vals[:, -1]
    out = jnp.where(inputs < threshold[:, None], jnp.zeros_like(inputs), inputs)
    return out

if __name__ == "__main__":
    import jax
    _d = setup_inputs()
    print(jax.jit(kernel)(*tuple(_d.values())))

</pallas_src>

<mosaic_0001>
#map = affine_map<(d0, d1) -> (0)>
module attributes {stable_mosaic.version = 14 : i64} {
  func.func @_kwta_body(%arg0: i32, %arg1: i32, %arg2: memref<524288xf32, #tpu.memory_space<hbm>>, %arg3: memref<524288xf32, #tpu.memory_space<hbm>>, %arg4: memref<16384xf32, #tpu.memory_space<vmem>>, %arg5: memref<16384xi32, #tpu.memory_space<vmem>>) attributes {dimension_semantics = [#tpu.dimension_semantics<core_parallel>, #tpu.dimension_semantics<subcore_parallel>], iteration_bounds = array<i64: 2, 16>, scalar_prefetch = 0 : i64, scratch_operands = 2 : i64, tpu.core_type = #tpu.core_type<sc_vector_subcore>, window_params = [{transform_indices = #map}, {transform_indices = #map}]} {
    %mul3A = arith.constant 2 : i32
    %mul3A_0 = arith.muli %arg1, %mul3A : i32
    %add3A = arith.addi %mul3A_0, %arg0 : i32
    %broadcast_in_dim3A = arith.constant 0 : i32
    %broadcast_in_dim3A_1 = vector.broadcast %broadcast_in_dim3A : i32 to vector<16xi32>
    %mul3A_2 = arith.constant 16384 : i32
    %mul3A_3 = arith.muli %add3A, %mul3A_2 : i32
    "tpu.region"() ({
      %run_scoped3A = tpu.sem_alloc : memref<!tpu.dma_semaphore, #tpu.memory_space<semaphore_mem>>
      %dma_start3A = tpu.memref_slice %arg2[%mul3A_3] : memref<524288xf32, #tpu.memory_space<hbm>> -> memref<16384xf32, #tpu.memory_space<hbm>>
      %dma_start3A_25 = tpu.memref_slice %arg2[%mul3A_3] : memref<524288xf32, #tpu.memory_space<hbm>> -> memref<16384xf32, #tpu.memory_space<hbm>>
      tpu.enqueue_dma source(%dma_start3A_25 : memref<16384xf32, #tpu.memory_space<hbm>>) target(%arg4 : memref<16384xf32, #tpu.memory_space<vmem>>) target_semaphore(%run_scoped3A : memref<!tpu.dma_semaphore, #tpu.memory_space<semaphore_mem>>)
      %dma_wait3A = tpu.memref_slice %arg2[%mul3A_3] : memref<524288xf32, #tpu.memory_space<hbm>> -> memref<16384xf32, #tpu.memory_space<hbm>>
      %dma_wait3A_26 = tpu.memref_slice %arg2[%mul3A_3] : memref<524288xf32, #tpu.memory_space<hbm>> -> memref<16384xf32, #tpu.memory_space<hbm>>
      tpu.wait_dma2 semaphore(%run_scoped3A : memref<!tpu.dma_semaphore, #tpu.memory_space<semaphore_mem>>) src(%dma_wait3A_26 : memref<16384xf32, #tpu.memory_space<hbm>>) dst(%arg4 : memref<16384xf32, #tpu.memory_space<vmem>>)
      tpu.yield
    }) : () -> ()
    %scan3A = arith.constant 0 : i32
    %scan3A_4 = arith.constant 0 : i32
    %scan3A_5 = arith.constant 64 : i32
    %scan3A_6 = arith.addi %scan3A_4, %scan3A_5 : i32
    %scan3A_7 = arith.constant 1 : i32
    scf.for %scan3A_25 = %scan3A_4 to %scan3A_6 step %scan3A_7  : i32 {
      %mul3A_26 = arith.constant 256 : i32
      %mul3A_27 = arith.muli %scan3A_25, %mul3A_26 : i32
      %add3A_28 = arith.constant 0 : i32
      %add3A_29 = arith.addi %mul3A_27, %add3A_28 : i32
      %get3A = arith.index_cast %add3A_29 : i32 to index
      %get3A_30 = tpu.vector_load %arg4[%get3A] {strides = array<i32>} : memref<16384xf32, #tpu.memory_space<vmem>>, vector<16xf32>,
      %get3A_31 = vector.shape_cast %get3A_30 : vector<16xf32> to vector<16xf32>
      %bitcast_convert_type3A = tpu.bitcast %get3A_31 : vector<16xf32> -> vector<16xi32>
      %ge3A = arith.constant 0 : i32
      %ge3A_32 = vector.broadcast %ge3A : i32 to vector<16xi32>
      %ge3A_33 = arith.cmpi sge, %bitcast_convert_type3A, %ge3A_32 : vector<16xi32>
      %not3A = arith.constant dense<-1> : vector<16xi32>
      %not3A_34 = arith.xori %bitcast_convert_type3A, %not3A : vector<16xi32>
      %xor3A = arith.constant -2147483648 : i32
      %xor3A_35 = vector.broadcast %xor3A : i32 to vector<16xi32>
      %xor3A_36 = arith.xori %not3A_34, %xor3A_35 : vector<16xi32>
      %select_n3A = arith.select %ge3A_33, %bitcast_convert_type3A, %xor3A_36 : vector<16xi1>, vector<16xi32>
      %add3A_37 = arith.constant 0 : i32
      %add3A_38 = arith.addi %mul3A_27, %add3A_37 : i32
      %swap3A = arith.index_cast %add3A_38 : i32 to index
      %swap3A_39 = tpu.vector_load %arg5[%swap3A] {strides = array<i32>} : memref<16384xi32, #tpu.memory_space<vmem>>, vector<16xi32>,
      %swap3A_40 = vector.shape_cast %swap3A_39 : vector<16xi32> to vector<16xi32>
      %swap3A_41 = vector.shape_cast %select_n3A : vector<16xi32> to vector<16xi32>
      tpu.vector_store %arg5[%swap3A], %swap3A_41 {strides = array<i32>} : memref<16384xi32, #tpu.memory_space<vmem>>, vector<16xi32>,
      %add3A_42 = arith.constant 16 : i32
      %add3A_43 = arith.addi %mul3A_27, %add3A_42 : i32
      %get3A_44 = arith.index_cast %add3A_43 : i32 to index
      %get3A_45 = tpu.vector_load %arg4[%get3A_44] {strides = array<i32>} : memref<16384xf32, #tpu.memory_space<vmem>>, vector<16xf32>,
      %get3A_46 = vector.shape_cast %get3A_45 : vector<16xf32> to vector<16xf32>
      %bitcast_convert_type3A_47 = tpu.bitcast %get3A_46 : vector<16xf32> -> vector<16xi32>
      %ge3A_48 = arith.constant 0 : i32
      %ge3A_49 = vector.broadcast %ge3A_48 : i32 to vector<16xi32>
      %ge3A_50 = arith.cmpi sge, %bitcast_convert_type3A_47, %ge3A_49 : vector<16xi32>
      %not3A_51 = arith.constant dense<-1> : vector<16xi32>
      %not3A_52 = arith.xori %bitcast_convert_type3A_47, %not3A_51 : vector<16xi32>
      %xor3A_53 = arith.constant -2147483648 : i32
      %xor3A_54 = vector.broadcast %xor3A_53 : i32 to vector<16xi32>
      %xor3A_55 = arith.xori %not3A_52, %xor3A_54 : vector<16xi32>
      %select_n3A_56 = arith.select %ge3A_50, %bitcast_convert_type3A_47, %xor3A_55 : vector<16xi1>, vector<16xi32>
      %add3A_57 = arith.constant 16 : i32
      %add3A_58 = arith.addi %mul3A_27, %add3A_57 : i32
      %swap3A_59 = arith.index_cast %add3A_58 : i32 to index
      %swap3A_60 = tpu.vector_load %arg5[%swap3A_59] {strides = array<i32>} : memref<16384xi32, #tpu.memory_space<vmem>>, vector<16xi32>,
      %swap3A_61 = vector.shape_cast %swap3A_60 : vector<16xi32> to vector<16xi32>
      %swap3A_62 = vector.shape_cast %select_n3A_56 : vector<16xi32> to vector<16xi32>
      tpu.vector_store %arg5[%swap3A_59], %swap3A_62 {strides = array<i32>} : memref<16384xi32, #tpu.memory_space<vmem>>, vector<16xi32>,
      %add3A_63 = arith.constant 32 : i32
      %add3A_64 = arith.addi %mul3A_27, %add3A_63 : i32
      %get3A_65 = arith.index_cast %add3A_64 : i32 to index
      %get3A_66 = tpu.vector_load %arg4[%get3A_65] {strides = array<i32>} : memref<16384xf32, #tpu.memory_space<vmem>>, vector<16xf32>,
      %get3A_67 = vector.shape_cast %get3A_66 : vector<16xf32> to vector<16xf32>
      %bitcast_convert_type3A_68 = tpu.bitcast %get3A_67 : vector<16xf32> -> vector<16xi32>
      %ge3A_69 = arith.constant 0 : i32
      %ge3A_70 = vector.broadcast %ge3A_69 : i32 to vector<16xi32>
      %ge3A_71 = arith.cmpi sge, %bitcast_convert_type3A_68, %ge3A_70 : vector<16xi32>
      %not3A_72 = arith.constant dense<-1> : vector<16xi32>
      %not3A_73 = arith.xori %bitcast_convert_type3A_68, %not3A_72 : vector<16xi32>
      %xor3A_74 = arith.constant -2147483648 : i32
      %xor3A_75 = vector.broadcast %xor3A_74 : i32 to vector<16xi32>
      %xor3A_76 = arith.xori %not3A_73, %xor3A_75 : vector<16xi32>
      %select_n3A_77 = arith.select %ge3A_71, %bitcast_convert_type3A_68, %xor3A_76 : vector<16xi1>, vector<16xi32>
      %add3A_78 = arith.constant 32 : i32
      %add3A_79 = arith.addi %mul3A_27, %add3A_78 : i32
      %swap3A_80 = arith.index_cast %add3A_79 : i32 to index
      %swap3A_81 = tpu.vector_load %arg5[%swap3A_80] {strides = array<i32>} : memref<16384xi32, #tpu.memory_space<vmem>>, vector<16xi32>,
      %swap3A_82 = vector.shape_cast %swap3A_81 : vector<16xi32> to vector<16xi32>
      %swap3A_83 = vector.shape_cast %select_n3A_77 : vector<16xi32> to vector<16xi32>
      tpu.vector_store %arg5[%swap3A_80], %swap3A_83 {strides = array<i32>} : memref<16384xi32, #tpu.memory_space<vmem>>, vector<16xi32>,
      %add3A_84 = arith.constant 48 : i32
      %add3A_85 = arith.addi %mul3A_27, %add3A_84 : i32
      %get3A_86 = arith.index_cast %add3A_85 : i32 to index
      %get3A_87 = tpu.vector_load %arg4[%get3A_86] {strides = array<i32>} : memref<16384xf32, #tpu.memory_space<vmem>>, vector<16xf32>,
      %get3A_88 = vector.shape_cast %get3A_87 : vector<16xf32> to vector<16xf32>
      %bitcast_convert_type3A_89 = tpu.bitcast %get3A_88 : vector<16xf32> -> vector<16xi32>
      %ge3A_90 = arith.constant 0 : i32
      %ge3A_91 = vector.broadcast %ge3A_90 : i32 to vector<16xi32>
      %ge3A_92 = arith.cmpi sge, %bitcast_convert_type3A_89, %ge3A_91 : vector<16xi32>
      %not3A_93 = arith.constant dense<-1> : vector<16xi32>
      %not3A_94 = arith.xori %bitcast_convert_type3A_89, %not3A_93 : vector<16xi32>
      %xor3A_95 = arith.constant -2147483648 : i32
      %xor3A_96 = vector.broadcast %xor3A_95 : i32 to vector<16xi32>
      %xor3A_97 = arith.xori %not3A_94, %xor3A_96 : vector<16xi32>
      %select_n3A_98 = arith.select %ge3A_92, %bitcast_convert_type3A_89, %xor3A_97 : vector<16xi1>, vector<16xi32>
      %add3A_99 = arith.constant 48 : i32
      %add3A_100 = arith.addi %mul3A_27, %add3A_99 : i32
      %swap3A_101 = arith.index_cast %add3A_100 : i32 to index
      %swap3A_102 = tpu.vector_load %arg5[%swap3A_101] {strides = array<i32>} : memref<16384xi32, #tpu.memory_space<vmem>>, vector<16xi32>,
      %swap3A_103 = vector.shape_cast %swap3A_102 : vector<16xi32> to vector<16xi32>
      %swap3A_104 = vector.shape_cast %select_n3A_98 : vector<16xi32> to vector<16xi32>
      tpu.vector_store %arg5[%swap3A_101], %swap3A_104 {strides = array<i32>} : memref<16384xi32, #tpu.memory_space<vmem>>, vector<16xi32>,
      %add3A_105 = arith.constant 64 : i32
      %add3A_106 = arith.addi %mul3A_27, %add3A_105 : i32
      %get3A_107 = arith.index_cast %add3A_106 : i32 to index
      %get3A_108 = tpu.vector_load %arg4[%get3A_107] {strides = array<i32>} : memref<16384xf32, #tpu.memory_space<vmem>>, vector<16xf32>,
      %get3A_109 = vector.shape_cast %get3A_108 : vector<16xf32> to vector<16xf32>
      %bitcast_convert_type3A_110 = tpu.bitcast %get3A_109 : vector<16xf32> -> vector<16xi32>
      %ge3A_111 = arith.constant 0 : i32
      %ge3A_112 = vector.broadcast %ge3A_111 : i32 to vector<16xi32>
      %ge3A_113 = arith.cmpi sge, %bitcast_convert_type3A_110, %ge3A_112 : vector<16xi32>
      %not3A_114 = arith.constant dense<-1> : vector<16xi32>
      %not3A_115 = arith.xori %bitcast_convert_type3A_110, %not3A_114 : vector<16xi32>
      %xor3A_116 = arith.constant -2147483648 : i32
      %xor3A_117 = vector.broadcast %xor3A_116 : i32 to vector<16xi32>
      %xor3A_118 = arith.xori %not3A_115, %xor3A_117 : vector<16xi32>
      %select_n3A_119 = arith.select %ge3A_113, %bitcast_convert_type3A_110, %xor3A_118 : vector<16xi1>, vector<16xi32>
      %add3A_120 = arith.constant 64 : i32
      %add3A_121 = arith.addi %mul3A_27, %add3A_120 : i32
      %swap3A_122 = arith.index_cast %add3A_121 : i32 to index
      %swap3A_123 = tpu.vector_load %arg5[%swap3A_122] {strides = array<i32>} : memref<16384xi32, #tpu.memory_space<vmem>>, vector<16xi32>,
      %swap3A_124 = vector.shape_cast %swap3A_123 : vector<16xi32> to vector<16xi32>
      %swap3A_125 = vector.shape_cast %select_n3A_119 : vector<16xi32> to vector<16xi32>
      tpu.vector_store %arg5[%swap3A_122], %swap3A_125 {strides = array<i32>} : memref<16384xi32, #tpu.memory_space<vmem>>, vector<16xi32>,
      %add3A_126 = arith.constant 80 : i32
      %add3A_127 = arith.addi %mul3A_27, %add3A_126 : i32
      %get3A_128 = arith.index_cast %add3A_127 : i32 to index
      %get3A_129 = tpu.vector_load %arg4[%get3A_128] {strides = array<i32>} : memref<16384xf32, #tpu.memory_space<vmem>>, vector<16xf32>,
      %get3A_130 = vector.shape_cast %get3A_129 : vector<16xf32> to vector<16xf32>
      %bitcast_convert_type3A_131 = tpu.bitcast %get3A_130 : vector<16xf32> -> vector<16xi32>
      %ge3A_132 = arith.constant 0 : i32
      %ge3A_133 = vector.broadcast %ge3A_132 : i32 to vector<16xi32>
      %ge3A_134 = arith.cmpi sge, %bitcast_convert_type3A_131, %ge3A_133 : vector<16xi32>
      %not3A_135 = arith.constant dense<-1> : vector<16xi32>
      %not3A_136 = arith.xori %bitcast_convert_type3A_131, %not3A_135 : vector<16xi32>
      %xor3A_137 = arith.constant -2147483648 : i32
      %xor3A_138 = vector.broadcast %xor3A_137 : i32 to vector<16xi32>
      %xor3A_139 = arith.xori %not3A_136, %xor3A_138 : vector<16xi32>
      %select_n3A_140 = arith.select %ge3A_134, %bitcast_convert_type3A_131, %xor3A_139 : vector<16xi1>, vector<16xi32>
      %add3A_141 = arith.constant 80 : i32
      %add3A_142 = arith.addi %mul3A_27, %add3A_141 : i32
      %swap3A_143 = arith.index_cast %add3A_142 : i32 to index
      %swap3A_144 = tpu.vector_load %arg5[%swap3A_143] {strides = array<i32>} : memref<16384xi32, #tpu.memory_space<vmem>>, vector<16xi32>,
      %swap3A_145 = vector.shape_cast %swap3A_144 : vector<16xi32> to vector<16xi32>
      %swap3A_146 = vector.shape_cast %select_n3A_140 : vector<16xi32> to vector<16xi32>
      tpu.vector_store %arg5[%swap3A_143], %swap3A_146 {strides = array<i32>} : memref<16384xi32, #tpu.memory_space<vmem>>, vector<16xi32>,
      %add3A_147 = arith.constant 96 : i32
      %add3A_148 = arith.addi %mul3A_27, %add3A_147 : i32
      %get3A_149 = arith.index_cast %add3A_148 : i32 to index
      %get3A_150 = tpu.vector_load %arg4[%get3A_149] {strides = array<i32>} : memref<16384xf32, #tpu.memory_space<vmem>>, vector<16xf32>,
      %get3A_151 = vector.shape_cast %get3A_150 : vector<16xf32> to vector<16xf32>
      %bitcast_convert_type3A_152 = tpu.bitcast %get3A_151 : vector<16xf32> -> vector<16xi32>
      %ge3A_153 = arith.constant 0 : i32
      %ge3A_154 = vector.broadcast %ge3A_153 : i32 to vector<16xi32>
      %ge3A_155 = arith.cmpi sge, %bitcast_convert_type3A_152, %ge3A_154 : vector<16xi32>
      %not3A_156 = arith.constant dense<-1> : vector<16xi32>
      %not3A_157 = arith.xori %bitcast_convert_type3A_152, %not3A_156 : vector<16xi32>
      %xor3A_158 = arith.constant -2147483648 : i32
      %xor3A_159 = vector.broadcast %xor3A_158 : i32 to vector<16xi32>
      %xor3A_160 = arith.xori %not3A_157, %xor3A_159 : vector<16xi32>
      %select_n3A_161 = arith.select %ge3A_155, %bitcast_convert_type3A_152, %xor3A_160 : vector<16xi1>, vector<16xi32>
      %add3A_162 = arith.constant 96 : i32
      %add3A_163 = arith.addi %mul3A_27, %add3A_162 : i32
      %swap3A_164 = arith.index_cast %add3A_163 : i32 to index
      %swap3A_165 = tpu.vector_load %arg5[%swap3A_164] {strides = array<i32>} : memref<16384xi32, #tpu.memory_space<vmem>>, vector<16xi32>,
      %swap3A_166 = vector.shape_cast %swap3A_165 : vector<16xi32> to vector<16xi32>
      %swap3A_167 = vector.shape_cast %select_n3A_161 : vector<16xi32> to vector<16xi32>
      tpu.vector_store %arg5[%swap3A_164], %swap3A_167 {strides = array<i32>} : memref<16384xi32, #tpu.memory_space<vmem>>, vector<16xi32>,
      %add3A_168 = arith.constant 112 : i32
      %add3A_169 = arith.addi %mul3A_27, %add3A_168 : i32
      %get3A_170 = arith.index_cast %add3A_169 : i32 to index
      %get3A_171 = tpu.vector_load %arg4[%get3A_170] {strides = array<i32>} : memref<16384xf32, #tpu.memory_space<vmem>>, vector<16xf32>,
      %get3A_172 = vector.shape_cast %get3A_171 : vector<16xf32> to vector<16xf32>
      %bitcast_convert_type3A_173 = tpu.bitcast %get3A_172 : vector<16xf32> -> vector<16xi32>
      %ge3A_174 = arith.constant 0 : i32
      %ge3A_175 = vector.broadcast %ge3A_174 : i32 to vector<16xi32>
      %ge3A_176 = arith.cmpi sge, %bitcast_convert_type3A_173, %ge3A_175 : vector<16xi32>
      %not3A_177 = arith.constant dense<-1> : vector<16xi32>
      %not3A_178 = arith.xori %bitcast_convert_type3A_173, %not3A_177 : vector<16xi32>
      %xor3A_179 = arith.constant -2147483648 : i32
      %xor3A_180 = vector.broadcast %xor3A_179 : i32 to vector<16xi32>
      %xor3A_181 = arith.xori %not3A_178, %xor3A_180 : vector<16xi32>
      %select_n3A_182 = arith.select %ge3A_176, %bitcast_convert_type3A_173, %xor3A_181 : vector<16xi1>, vector<16xi32>
      %add3A_183 = arith.constant 112 : i32
      %add3A_184 = arith.addi %mul3A_27, %add3A_183 : i32
      %swap3A_185 = arith.index_cast %add3A_184 : i32 to index
      %swap3A_186 = tpu.vector_load %arg5[%swap3A_185] {strides = array<i32>} : memref<16384xi32, #tpu.memory_space<vmem>>, vector<16xi32>,
      %swap3A_187 = vector.shape_cast %swap3A_186 : vector<16xi32> to vector<16xi32>
      %swap3A_188 = vector.shape_cast %select_n3A_182 : vector<16xi32> to vector<16xi32>
      tpu.vector_store %arg5[%swap3A_185], %swap3A_188 {strides = array<i32>} : memref<16384xi32, #tpu.memory_space<vmem>>, vector<16xi32>,
      %add3A_189 = arith.constant 128 : i32
      %add3A_190 = arith.addi %mul3A_27, %add3A_189 : i32
      %get3A_191 = arith.index_cast %add3A_190 : i32 to index
      %get3A_192 = tpu.vector_load %arg4[%get3A_191] {strides = array<i32>} : memref<16384xf32, #tpu.memory_space<vmem>>, vector<16xf32>,
      %get3A_193 = vector.shape_cast %get3A_192 : vector<16xf32> to vector<16xf32>
      %bitcast_convert_type3A_194 = tpu.bitcast %get3A_193 : vector<16xf32> -> vector<16xi32>
      %ge3A_195 = arith.constant 0 : i32
      %ge3A_196 = vector.broadcast %ge3A_195 : i32 to vector<16xi32>
      %ge3A_197 = arith.cmpi sge, %bitcast_convert_type3A_194, %ge3A_196 : vector<16xi32>
      %not3A_198 = arith.constant dense<-1> : vector<16xi32>
      %not3A_199 = arith.xori %bitcast_convert_type3A_194, %not3A_198 : vector<16xi32>
      %xor3A_200 = arith.constant -2147483648 : i32
      %xor3A_201 = vector.broadcast %xor3A_200 : i32 to vector<16xi32>
      %xor3A_202 = arith.xori %not3A_199, %xor3A_201 : vector<16xi32>
      %select_n3A_203 = arith.select %ge3A_197, %bitcast_convert_type3A_194, %xor3A_202 : vector<16xi1>, vector<16xi32>
      %add3A_204 = arith.constant 128 : i32
      %add3A_205 = arith.addi %mul3A_27, %add3A_204 : i32
      %swap3A_206 = arith.index_cast %add3A_205 : i32 to index
      %swap3A_207 = tpu.vector_load %arg5[%swap3A_206] {strides = array<i32>} : memref<16384xi32, #tpu.memory_space<vmem>>, vector<16xi32>,
      %swap3A_208 = vector.shape_cast %swap3A_207 : vector<16xi32> to vector<16xi32>
      %swap3A_209 = vector.shape_cast %select_n3A_203 : vector<16xi32> to vector<16xi32>
      tpu.vector_store %arg5[%swap3A_206], %swap3A_209 {strides = array<i32>} : memref<16384xi32, #tpu.memory_space<vmem>>, vector<16xi32>,
      %add3A_210 = arith.constant 144 : i32
      %add3A_211 = arith.addi %mul3A_27, %add3A_210 : i32
      %get3A_212 = arith.index_cast %add3A_211 : i32 to index
      %get3A_213 = tpu.vector_load %arg4[%get3A_212] {strides = array<i32>} : memref<16384xf32, #tpu.memory_space<vmem>>, vector<16xf32>,
      %get3A_214 = vector.shape_cast %get3A_213 : vector<16xf32> to vector<16xf32>
      %bitcast_convert_type3A_215 = tpu.bitcast %get3A_214 : vector<16xf32> -> vector<16xi32>
      %ge3A_216 = arith.constant 0 : i32
      %ge3A_217 = vector.broadcast %ge3A_216 : i32 to vector<16xi32>
      %ge3A_218 = arith.cmpi sge, %bitcast_convert_type3A_215, %ge3A_217 : vector<16xi32>
      %not3A_219 = arith.constant dense<-1> : vector<16xi32>
      %not3A_220 = arith.xori %bitcast_convert_type3A_215, %not3A_219 : vector<16xi32>
      %xor3A_221 = arith.constant -2147483648 : i32
      %xor3A_222 = vector.broadcast %xor3A_221 : i32 to vector<16xi32>
      %xor3A_223 = arith.xori %not3A_220, %xor3A_222 : vector<16xi32>
      %select_n3A_224 = arith.select %ge3A_218, %bitcast_convert_type3A_215, %xor3A_223 : vector<16xi1>, vector<16xi32>
      %add3A_225 = arith.constant 144 : i32
      %add3A_226 = arith.addi %mul3A_27, %add3A_225 : i32
      %swap3A_227 = arith.index_cast %add3A_226 : i32 to index
      %swap3A_228 = tpu.vector_load %arg5[%swap3A_227] {strides = array<i32>} : memref<16384xi32, #tpu.memory_space<vmem>>, vector<16xi32>,
      %swap3A_229 = vector.shape_cast %swap3A_228 : vector<16xi32> to vector<16xi32>
      %swap3A_230 = vector.shape_cast %select_n3A_224 : vector<16xi32> to vector<16xi32>
      tpu.vector_store %arg5[%swap3A_227], %swap3A_230 {strides = array<i32>} : memref<16384xi32, #tpu.memory_space<vmem>>, vector<16xi32>,
      %add3A_231 = arith.constant 160 : i32
      %add3A_232 = arith.addi %mul3A_27, %add3A_231 : i32
      %get3A_233 = arith.index_cast %add3A_232 : i32 to index
      %get3A_234 = tpu.vector_load %arg4[%get3A_233] {strides = array<i32>} : memref<16384xf32, #tpu.memory_space<vmem>>, vector<16xf32>,
      %get3A_235 = vector.shape_cast %get3A_234 : vector<16xf32> to vector<16xf32>
      %bitcast_convert_type3A_236 = tpu.bitcast %get3A_235 : vector<16xf32> -> vector<16xi32>
      %ge3A_237 = arith.constant 0 : i32
      %ge3A_238 = vector.broadcast %ge3A_237 : i32 to vector<16xi32>
      %ge3A_239 = arith.cmpi sge, %bitcast_convert_type3A_236, %ge3A_238 : vector<16xi32>
      %not3A_240 = arith.constant dense<-1> : vector<16xi32>
      %not3A_241 = arith.xori %bitcast_convert_type3A_236, %not3A_240 : vector<16xi32>
      %xor3A_242 = arith.constant -2147483648 : i32
      %xor3A_243 = vector.broadcast %xor3A_242 : i32 to vector<16xi32>
      %xor3A_244 = arith.xori %not3A_241, %xor3A_243 : vector<16xi32>
      %select_n3A_245 = arith.select %ge3A_239, %bitcast_convert_type3A_236, %xor3A_244 : vector<16xi1>, vector<16xi32>
      %add3A_246 = arith.constant 160 : i32
      %add3A_247 = arith.addi %mul3A_27, %add3A_246 : i32
      %swap3A_248 = arith.index_cast %add3A_247 : i32 to index
      %swap3A_249 = tpu.vector_load %arg5[%swap3A_248] {strides = array<i32>} : memref<16384xi32, #tpu.memory_space<vmem>>, vector<16xi32>,
      %swap3A_250 = vector.shape_cast %swap3A_249 : vector<16xi32> to vector<16xi32>
      %swap3A_251 = vector.shape_cast %select_n3A_245 : vector<16xi32> to vector<16xi32>
      tpu.vector_store %arg5[%swap3A_248], %swap3A_251 {strides = array<i32>} : memref<16384xi32, #tpu.memory_space<vmem>>, vector<16xi32>,
      %add3A_252 = arith.constant 176 : i32
      %add3A_253 = arith.addi %mul3A_27, %add3A_252 : i32
      %get3A_254 = arith.index_cast %add3A_253 : i32 to index
      %get3A_255 = tpu.vector_load %arg4[%get3A_254] {strides = array<i32>} : memref<16384xf32, #tpu.memory_space<vmem>>, vector<16xf32>,
      %get3A_256 = vector.shape_cast %get3A_255 : vector<16xf32> to vector<16xf32>
      %bitcast_convert_type3A_257 = tpu.bitcast %get3A_256 : vector<16xf32> -> vector<16xi32>
      %ge3A_258 = arith.constant 0 : i32
      %ge3A_259 = vector.broadcast %ge3A_258 : i32 to vector<16xi32>
      %ge3A_260 = arith.cmpi sge, %bitcast_convert_type3A_257, %ge3A_259 : vector<16xi32>
      %not3A_261 = arith.constant dense<-1> : vector<16xi32>
      %not3A_262 = arith.xori %bitcast_convert_type3A_257, %not3A_261 : vector<16xi32>
      %xor3A_263 = arith.constant -2147483648 : i32
      %xor3A_264 = vector.broadcast %xor3A_263 : i32 to vector<16xi32>
      %xor3A_265 = arith.xori %not3A_262, %xor3A_264 : vector<16xi32>
      %select_n3A_266 = arith.select %ge3A_260, %bitcast_convert_type3A_257, %xor3A_265 : vector<16xi1>, vector<16xi32>
      %add3A_267 = arith.constant 176 : i32
      %add3A_268 = arith.addi %mul3A_27, %add3A_267 : i32
      %swap3A_269 = arith.index_cast %add3A_268 : i32 to index
      %swap3A_270 = tpu.vector_load %arg5[%swap3A_269] {strides = array<i32>} : memref<16384xi32, #tpu.memory_space<vmem>>, vector<16xi32>,
      %swap3A_271 = vector.shape_cast %swap3A_270 : vector<16xi32> to vector<16xi32>
      %swap3A_272 = vector.shape_cast %select_n3A_266 : vector<16xi32> to vector<16xi32>
      tpu.vector_store %arg5[%swap3A_269], %swap3A_272 {strides = array<i32>} : memref<16384xi32, #tpu.memory_space<vmem>>, vector<16xi32>,
      %add3A_273 = arith.constant 192 : i32
      %add3A_274 = arith.addi %mul3A_27, %add3A_273 : i32
      %get3A_275 = arith.index_cast %add3A_274 : i32 to index
      %get3A_276 = tpu.vector_load %arg4[%get3A_275] {strides = array<i32>} : memref<16384xf32, #tpu.memory_space<vmem>>, vector<16xf32>,
      %get3A_277 = vector.shape_cast %get3A_276 : vector<16xf32> to vector<16xf32>
      %bitcast_convert_type3A_278 = tpu.bitcast %get3A_277 : vector<16xf32> -> vector<16xi32>
      %ge3A_279 = arith.constant 0 : i32
      %ge3A_280 = vector.broadcast %ge3A_279 : i32 to vector<16xi32>
      %ge3A_281 = arith.cmpi sge, %bitcast_convert_type3A_278, %ge3A_280 : vector<16xi32>
      %not3A_282 = arith.constant dense<-1> : vector<16xi32>
      %not3A_283 = arith.xori %bitcast_convert_type3A_278, %not3A_282 : vector<16xi32>
      %xor3A_284 = arith.constant -2147483648 : i32
      %xor3A_285 = vector.broadcast %xor3A_284 : i32 to vector<16xi32>
      %xor3A_286 = arith.xori %not3A_283, %xor3A_285 : vector<16xi32>
      %select_n3A_287 = arith.select %ge3A_281, %bitcast_convert_type3A_278, %xor3A_286 : vector<16xi1>, vector<16xi32>
      %add3A_288 = arith.constant 192 : i32
      %add3A_289 = arith.addi %mul3A_27, %add3A_288 : i32
      %swap3A_290 = arith.index_cast %add3A_289 : i32 to index
      %swap3A_291 = tpu.vector_load %arg5[%swap3A_290] {strides = array<i32>} : memref<16384xi32, #tpu.memory_space<vmem>>, vector<16xi32>,
      %swap3A_292 = vector.shape_cast %swap3A_291 : vector<16xi32> to vector<16xi32>
      %swap3A_293 = vector.shape_cast %select_n3A_287 : vector<16xi32> to vector<16xi32>
      tpu.vector_store %arg5[%swap3A_290], %swap3A_293 {strides = array<i32>} : memref<16384xi32, #tpu.memory_space<vmem>>, vector<16xi32>,
      %add3A_294 = arith.constant 208 : i32
      %add3A_295 = arith.addi %mul3A_27, %add3A_294 : i32
      %get3A_296 = arith.index_cast %add3A_295 : i32 to index
      %get3A_297 = tpu.vector_load %arg4[%get3A_296] {strides = array<i32>} : memref<16384xf32, #tpu.memory_space<vmem>>, vector<16xf32>,
      %get3A_298 = vector.shape_cast %get3A_297 : vector<16xf32> to vector<16xf32>
      %bitcast_convert_type3A_299 = tpu.bitcast %get3A_298 : vector<16xf32> -> vector<16xi32>
      %ge3A_300 = arith.constant 0 : i32
      %ge3A_301 = vector.broadcast %ge3A_300 : i32 to vector<16xi32>
      %ge3A_302 = arith.cmpi sge, %bitcast_convert_type3A_299, %ge3A_301 : vector<16xi32>
      %not3A_303 = arith.constant dense<-1> : vector<16xi32>
      %not3A_304 = arith.xori %bitcast_convert_type3A_299, %not3A_303 : vector<16xi32>
      %xor3A_305 = arith.constant -2147483648 : i32
      %xor3A_306 = vector.broadcast %xor3A_305 : i32 to vector<16xi32>
      %xor3A_307 = arith.xori %not3A_304, %xor3A_306 : vector<16xi32>
      %select_n3A_308 = arith.select %ge3A_302, %bitcast_convert_type3A_299, %xor3A_307 : vector<16xi1>, vector<16xi32>
      %add3A_309 = arith.constant 208 : i32
      %add3A_310 = arith.addi %mul3A_27, %add3A_309 : i32
      %swap3A_311 = arith.index_cast %add3A_310 : i32 to index
      %swap3A_312 = tpu.vector_load %arg5[%swap3A_311] {strides = array<i32>} : memref<16384xi32, #tpu.memory_space<vmem>>, vector<16xi32>,
      %swap3A_313 = vector.shape_cast %swap3A_312 : vector<16xi32> to vector<16xi32>
      %swap3A_314 = vector.shape_cast %select_n3A_308 : vector<16xi32> to vector<16xi32>
      tpu.vector_store %arg5[%swap3A_311], %swap3A_314 {strides = array<i32>} : memref<16384xi32, #tpu.memory_space<vmem>>, vector<16xi32>,
      %add3A_315 = arith.constant 224 : i32
      %add3A_316 = arith.addi %mul3A_27, %add3A_315 : i32
      %get3A_317 = arith.index_cast %add3A_316 : i32 to index
      %get3A_318 = tpu.vector_load %arg4[%get3A_317] {strides = array<i32>} : memref<16384xf32, #tpu.memory_space<vmem>>, vector<16xf32>,
      %get3A_319 = vector.shape_cast %get3A_318 : vector<16xf32> to vector<16xf32>
      %bitcast_convert_type3A_320 = tpu.bitcast %get3A_319 : vector<16xf32> -> vector<16xi32>
      %ge3A_321 = arith.constant 0 : i32
      %ge3A_322 = vector.broadcast %ge3A_321 : i32 to vector<16xi32>
      %ge3A_323 = arith.cmpi sge, %bitcast_convert_type3A_320, %ge3A_322 : vector<16xi32>
      %not3A_324 = arith.constant dense<-1> : vector<16xi32>
      %not3A_325 = arith.xori %bitcast_convert_type3A_320, %not3A_324 : vector<16xi32>
      %xor3A_326 = arith.constant -2147483648 : i32
      %xor3A_327 = vector.broadcast %xor3A_326 : i32 to vector<16xi32>
      %xor3A_328 = arith.xori %not3A_325, %xor3A_327 : vector<16xi32>
      %select_n3A_329 = arith.select %ge3A_323, %bitcast_convert_type3A_320, %xor3A_328 : vector<16xi1>, vector<16xi32>
      %add3A_330 = arith.constant 224 : i32
      %add3A_331 = arith.addi %mul3A_27, %add3A_330 : i32
      %swap3A_332 = arith.index_cast %add3A_331 : i32 to index
      %swap3A_333 = tpu.vector_load %arg5[%swap3A_332] {strides = array<i32>} : memref<16384xi32, #tpu.memory_space<vmem>>, vector<16xi32>,
      %swap3A_334 = vector.shape_cast %swap3A_333 : vector<16xi32> to vector<16xi32>
      %swap3A_335 = vector.shape_cast %select_n3A_329 : vector<16xi32> to vector<16xi32>
      tpu.vector_store %arg5[%swap3A_332], %swap3A_335 {strides = array<i32>} : memref<16384xi32, #tpu.memory_space<vmem>>, vector<16xi32>,
      %add3A_336 = arith.constant 240 : i32
      %add3A_337 = arith.addi %mul3A_27, %add3A_336 : i32
      %get3A_338 = arith.index_cast %add3A_337 : i32 to index
      %get3A_339 = tpu.vector_load %arg4[%get3A_338] {strides = array<i32>} : memref<16384xf32, #tpu.memory_space<vmem>>, vector<16xf32>,
      %get3A_340 = vector.shape_cast %get3A_339 : vector<16xf32> to vector<16xf32>
      %bitcast_convert_type3A_341 = tpu.bitcast %get3A_340 : vector<16xf32> -> vector<16xi32>
      %ge3A_342 = arith.constant 0 : i32
      %ge3A_343 = vector.broadcast %ge3A_342 : i32 to vector<16xi32>
      %ge3A_344 = arith.cmpi sge, %bitcast_convert_type3A_341, %ge3A_343 : vector<16xi32>
      %not3A_345 = arith.constant dense<-1> : vector<16xi32>
      %not3A_346 = arith.xori %bitcast_convert_type3A_341, %not3A_345 : vector<16xi32>
      %xor3A_347 = arith.constant -2147483648 : i32
      %xor3A_348 = vector.broadcast %xor3A_347 : i32 to vector<16xi32>
      %xor3A_349 = arith.xori %not3A_346, %xor3A_348 : vector<16xi32>
      %select_n3A_350 = arith.select %ge3A_344, %bitcast_convert_type3A_341, %xor3A_349 : vector<16xi1>, vector<16xi32>
      %add3A_351 = arith.constant 240 : i32
      %add3A_352 = arith.addi %mul3A_27, %add3A_351 : i32
      %swap3A_353 = arith.index_cast %add3A_352 : i32 to index
      %swap3A_354 = tpu.vector_load %arg5[%swap3A_353] {strides = array<i32>} : memref<16384xi32, #tpu.memory_space<vmem>>, vector<16xi32>,
      %swap3A_355 = vector.shape_cast %swap3A_354 : vector<16xi32> to vector<16xi32>
      %swap3A_356 = vector.shape_cast %select_n3A_350 : vector<16xi32> to vector<16xi32>
      tpu.vector_store %arg5[%swap3A_353], %swap3A_356 {strides = array<i32>} : memref<16384xi32, #tpu.memory_space<vmem>>, vector<16xi32>,
    }
    %scan3A_8 = arith.constant 64 : i32
    %scan3A_9 = arith.constant -2147483648 : i32
    %scan3A_10 = arith.constant -2147483648 : i32
    %scan3A_11 = arith.constant 8192 : i32
    %scan3A_12 = arith.constant 8192 : i32
    %scan3A_13 = arith.constant 0 : i32
    %scan3A_14 = arith.constant 32 : i32
    %scan3A_15 = arith.addi %scan3A_13, %scan3A_14 : i32
    %scan3A_16 = arith.constant 1 : i32
    %scan3A_17:4 = scf.for %scan3A_25 = %scan3A_13 to %scan3A_15 step %scan3A_16 iter_args(%scan3A_26 = %scan3A_9, %scan3A_27 = %scan3A_10, %scan3A_28 = %scan3A_11, %scan3A_29 = %scan3A_12) -> (i32, i32, i32, i32)  : i32 {
      %sub3A = arith.constant 31 : i32
      %sub3A_30 = arith.subi %sub3A, %scan3A_25 : i32
      %shift_left3A = arith.constant 1 : i32
      %shift_left3A_31 = arith.shli %shift_left3A, %sub3A_30 : i32
      %add3A_32 = arith.addi %scan3A_26, %shift_left3A_31 : i32
      %add3A_33 = arith.addi %scan3A_27, %shift_left3A_31 : i32
      %eq3A = arith.constant 256 : i32
      %eq3A_34 = arith.cmpi eq, %scan3A_28, %eq3A : i32
      %eq3A_35 = arith.constant 256 : i32
      %eq3A_36 = arith.cmpi eq, %scan3A_29, %eq3A_35 : i32
      %and3A = arith.andi %eq3A_34, %eq3A_36 : i1
      %jit3A = arith.constant 0 : i32
      %jit3A_37 = arith.constant 64 : i32
      %select_n3A = arith.select %and3A, %jit3A, %jit3A_37 : i32
      %while3A = arith.constant 0 : i32
      %while3A_38 = arith.subi %select_n3A, %while3A : i32
      %while3A_39 = arith.addi %while3A, %while3A_38 : i32
      %while3A_40 = arith.constant 1 : i32
      %while3A_41 = arith.divsi %while3A_38, %while3A_40 : i32
      %while3A_42 = arith.muli %while3A_41, %while3A_40 : i32
      %while3A_43 = arith.addi %while3A, %while3A_42 : i32
      %while3A_44 = arith.constant 1 : i32
      %while3A_45:2 = scf.for %while3A_152 = %while3A to %while3A_43 step %while3A_44 iter_args(%while3A_153 = %broadcast_in_dim3A_1, %while3A_154 = %broadcast_in_dim3A_1) -> (vector<16xi32>, vector<16xi32>)  : i32 {
        %mul3A_155 = arith.constant 128 : i32
        %mul3A_156 = arith.muli %while3A_152, %mul3A_155 : i32
        %add3A_157 = arith.constant 0 : i32
        %add3A_158 = arith.addi %mul3A_156, %add3A_157 : i32
        %get3A = arith.index_cast %add3A_158 : i32 to index
        %get3A_159 = tpu.vector_load %arg5[%get3A] {strides = array<i32>} : memref<16384xi32, #tpu.memory_space<vmem>>, vector<16xi32>,
        %get3A_160 = vector.shape_cast %get3A_159 : vector<16xi32> to vector<16xi32>
        %add3A_161 = arith.constant 8192 : i32
        %add3A_162 = arith.addi %add3A_161, %mul3A_156 : i32
        %add3A_163 = arith.constant 0 : i32
        %add3A_164 = arith.addi %add3A_162, %add3A_163 : i32
        %get3A_165 = arith.index_cast %add3A_164 : i32 to index
        %get3A_166 = tpu.vector_load %arg5[%get3A_165] {strides = array<i32>} : memref<16384xi32, #tpu.memory_space<vmem>>, vector<16xi32>,
        %get3A_167 = vector.shape_cast %get3A_166 : vector<16xi32> to vector<16xi32>
        %ge3A_168 = vector.broadcast %add3A_32 : i32 to vector<16xi32>
        %ge3A_169 = arith.cmpi sge, %get3A_160, %ge3A_168 : vector<16xi32>
        %add3A_170 = arith.constant 1 : i32
        %add3A_171 = vector.broadcast %add3A_170 : i32 to vector<16xi32>
        %add3A_172 = arith.addi %while3A_153, %add3A_171 : vector<16xi32>
        %select_n3A_173 = arith.select %ge3A_169, %add3A_172, %while3A_153 : vector<16xi1>, vector<16xi32>
        %ge3A_174 = vector.broadcast %add3A_33 : i32 to vector<16xi32>
        %ge3A_175 = arith.cmpi sge, %get3A_167, %ge3A_174 : vector<16xi32>
        %add3A_176 = arith.constant 1 : i32
        %add3A_177 = vector.broadcast %add3A_176 : i32 to vector<16xi32>
        %add3A_178 = arith.addi %while3A_154, %add3A_177 : vector<16xi32>
        %select_n3A_179 = arith.select %ge3A_175, %add3A_178, %while3A_154 : vector<16xi1>, vector<16xi32>
        %add3A_180 = arith.constant 16 : i32
        %add3A_181 = arith.addi %mul3A_156, %add3A_180 : i32
        %get3A_182 = arith.index_cast %add3A_181 : i32 to index
        %get3A_183 = tpu.vector_load %arg5[%get3A_182] {strides = array<i32>} : memref<16384xi32, #tpu.memory_space<vmem>>, vector<16xi32>,
        %get3A_184 = vector.shape_cast %get3A_183 : vector<16xi32> to vector<16xi32>
        %add3A_185 = arith.constant 8192 : i32
        %add3A_186 = arith.addi %add3A_185, %mul3A_156 : i32
        %add3A_187 = arith.constant 16 : i32
        %add3A_188 = arith.addi %add3A_186, %add3A_187 : i32
        %get3A_189 = arith.index_cast %add3A_188 : i32 to index
        %get3A_190 = tpu.vector_load %arg5[%get3A_189] {strides = array<i32>} : memref<16384xi32, #tpu.memory_space<vmem>>, vector<16xi32>,
        %get3A_191 = vector.shape_cast %get3A_190 : vector<16xi32> to vector<16xi32>
        %ge3A_192 = vector.broadcast %add3A_32 : i32 to vector<16xi32>
        %ge3A_193 = arith.cmpi sge, %get3A_184, %ge3A_192 : vector<16xi32>
        %add3A_194 = arith.constant 1 : i32
        %add3A_195 = vector.broadcast %add3A_194 : i32 to vector<16xi32>
        %add3A_196 = arith.addi %select_n3A_173, %add3A_195 : vector<16xi32>
        %select_n3A_197 = arith.select %ge3A_193, %add3A_196, %select_n3A_173 : vector<16xi1>, vector<16xi32>
        %ge3A_198 = vector.broadcast %add3A_33 : i32 to vector<16xi32>
        %ge3A_199 = arith.cmpi sge, %get3A_191, %ge3A_198 : vector<16xi32>
        %add3A_200 = arith.constant 1 : i32
        %add3A_201 = vector.broadcast %add3A_200 : i32 to vector<16xi32>
        %add3A_202 = arith.addi %select_n3A_179, %add3A_201 : vector<16xi32>
        %select_n3A_203 = arith.select %ge3A_199, %add3A_202, %select_n3A_179 : vector<16xi1>, vector<16xi32>
        %add3A_204 = arith.constant 32 : i32
        %add3A_205 = arith.addi %mul3A_156, %add3A_204 : i32
        %get3A_206 = arith.index_cast %add3A_205 : i32 to index
        %get3A_207 = tpu.vector_load %arg5[%get3A_206] {strides = array<i32>} : memref<16384xi32, #tpu.memory_space<vmem>>, vector<16xi32>,
        %get3A_208 = vector.shape_cast %get3A_207 : vector<16xi32> to vector<16xi32>
        %add3A_209 = arith.constant 8192 : i32
        %add3A_210 = arith.addi %add3A_209, %mul3A_156 : i32
        %add3A_211 = arith.constant 32 : i32
        %add3A_212 = arith.addi %add3A_210, %add3A_211 : i32
        %get3A_213 = arith.index_cast %add3A_212 : i32 to index
        %get3A_214 = tpu.vector_load %arg5[%get3A_213] {strides = array<i32>} : memref<16384xi32, #tpu.memory_space<vmem>>, vector<16xi32>,
        %get3A_215 = vector.shape_cast %get3A_214 : vector<16xi32> to vector<16xi32>
        %ge3A_216 = vector.broadcast %add3A_32 : i32 to vector<16xi32>
        %ge3A_217 = arith.cmpi sge, %get3A_208, %ge3A_216 : vector<16xi32>
        %add3A_218 = arith.constant 1 : i32
        %add3A_219 = vector.broadcast %add3A_218 : i32 to vector<16xi32>
        %add3A_220 = arith.addi %select_n3A_197, %add3A_219 : vector<16xi32>
        %select_n3A_221 = arith.select %ge3A_217, %add3A_220, %select_n3A_197 : vector<16xi1>, vector<16xi32>
        %ge3A_222 = vector.broadcast %add3A_33 : i32 to vector<16xi32>
        %ge3A_223 = arith.cmpi sge, %get3A_215, %ge3A_222 : vector<16xi32>
        %add3A_224 = arith.constant 1 : i32
        %add3A_225 = vector.broadcast %add3A_224 : i32 to vector<16xi32>
        %add3A_226 = arith.addi %select_n3A_203, %add3A_225 : vector<16xi32>
        %select_n3A_227 = arith.select %ge3A_223, %add3A_226, %select_n3A_203 : vector<16xi1>, vector<16xi32>
        %add3A_228 = arith.constant 48 : i32
        %add3A_229 = arith.addi %mul3A_156, %add3A_228 : i32
        %get3A_230 = arith.index_cast %add3A_229 : i32 to index
        %get3A_231 = tpu.vector_load %arg5[%get3A_230] {strides = array<i32>} : memref<16384xi32, #tpu.memory_space<vmem>>, vector<16xi32>,
        %get3A_232 = vector.shape_cast %get3A_231 : vector<16xi32> to vector<16xi32>
        %add3A_233 = arith.constant 8192 : i32
        %add3A_234 = arith.addi %add3A_233, %mul3A_156 : i32
        %add3A_235 = arith.constant 48 : i32
        %add3A_236 = arith.addi %add3A_234, %add3A_235 : i32
        %get3A_237 = arith.index_cast %add3A_236 : i32 to index
        %get3A_238 = tpu.vector_load %arg5[%get3A_237] {strides = array<i32>} : memref<16384xi32, #tpu.memory_space<vmem>>, vector<16xi32>,
        %get3A_239 = vector.shape_cast %get3A_238 : vector<16xi32> to vector<16xi32>
        %ge3A_240 = vector.broadcast %add3A_32 : i32 to vector<16xi32>
        %ge3A_241 = arith.cmpi sge, %get3A_232, %ge3A_240 : vector<16xi32>
        %add3A_242 = arith.constant 1 : i32
        %add3A_243 = vector.broadcast %add3A_242 : i32 to vector<16xi32>
        %add3A_244 = arith.addi %select_n3A_221, %add3A_243 : vector<16xi32>
        %select_n3A_245 = arith.select %ge3A_241, %add3A_244, %select_n3A_221 : vector<16xi1>, vector<16xi32>
        %ge3A_246 = vector.broadcast %add3A_33 : i32 to vector<16xi32>
        %ge3A_247 = arith.cmpi sge, %get3A_239, %ge3A_246 : vector<16xi32>
        %add3A_248 = arith.constant 1 : i32
        %add3A_249 = vector.broadcast %add3A_248 : i32 to vector<16xi32>
        %add3A_250 = arith.addi %select_n3A_227, %add3A_249 : vector<16xi32>
        %select_n3A_251 = arith.select %ge3A_247, %add3A_250, %select_n3A_227 : vector<16xi1>, vector<16xi32>
        %add3A_252 = arith.constant 64 : i32
        %add3A_253 = arith.addi %mul3A_156, %add3A_252 : i32
        %get3A_254 = arith.index_cast %add3A_253 : i32 to index
        %get3A_255 = tpu.vector_load %arg5[%get3A_254] {strides = array<i32>} : memref<16384xi32, #tpu.memory_space<vmem>>, vector<16xi32>,
        %get3A_256 = vector.shape_cast %get3A_255 : vector<16xi32> to vector<16xi32>
        %add3A_257 = arith.constant 8192 : i32
        %add3A_258 = arith.addi %add3A_257, %mul3A_156 : i32
        %add3A_259 = arith.constant 64 : i32
        %add3A_260 = arith.addi %add3A_258, %add3A_259 : i32
        %get3A_261 = arith.index_cast %add3A_260 : i32 to index
        %get3A_262 = tpu.vector_load %arg5[%get3A_261] {strides = array<i32>} : memref<16384xi32, #tpu.memory_space<vmem>>, vector<16xi32>,
        %get3A_263 = vector.shape_cast %get3A_262 : vector<16xi32> to vector<16xi32>
        %ge3A_264 = vector.broadcast %add3A_32 : i32 to vector<16xi32>
        %ge3A_265 = arith.cmpi sge, %get3A_256, %ge3A_264 : vector<16xi32>
        %add3A_266 = arith.constant 1 : i32
        %add3A_267 = vector.broadcast %add3A_266 : i32 to vector<16xi32>
        %add3A_268 = arith.addi %select_n3A_245, %add3A_267 : vector<16xi32>
        %select_n3A_269 = arith.select %ge3A_265, %add3A_268, %select_n3A_245 : vector<16xi1>, vector<16xi32>
        %ge3A_270 = vector.broadcast %add3A_33 : i32 to vector<16xi32>
        %ge3A_271 = arith.cmpi sge, %get3A_263, %ge3A_270 : vector<16xi32>
        %add3A_272 = arith.constant 1 : i32
        %add3A_273 = vector.broadcast %add3A_272 : i32 to vector<16xi32>
        %add3A_274 = arith.addi %select_n3A_251, %add3A_273 : vector<16xi32>
        %select_n3A_275 = arith.select %ge3A_271, %add3A_274, %select_n3A_251 : vector<16xi1>, vector<16xi32>
        %add3A_276 = arith.constant 80 : i32
        %add3A_277 = arith.addi %mul3A_156, %add3A_276 : i32
        %get3A_278 = arith.index_cast %add3A_277 : i32 to index
        %get3A_279 = tpu.vector_load %arg5[%get3A_278] {strides = array<i32>} : memref<16384xi32, #tpu.memory_space<vmem>>, vector<16xi32>,
        %get3A_280 = vector.shape_cast %get3A_279 : vector<16xi32> to vector<16xi32>
        %add3A_281 = arith.constant 8192 : i32
        %add3A_282 = arith.addi %add3A_281, %mul3A_156 : i32
        %add3A_283 = arith.constant 80 : i32
        %add3A_284 = arith.addi %add3A_282, %add3A_283 : i32
        %get3A_285 = arith.index_cast %add3A_284 : i32 to index
        %get3A_286 = tpu.vector_load %arg5[%get3A_285] {strides = array<i32>} : memref<16384xi32, #tpu.memory_space<vmem>>, vector<16xi32>,
        %get3A_287 = vector.shape_cast %get3A_286 : vector<16xi32> to vector<16xi32>
        %ge3A_288 = vector.broadcast %add3A_32 : i32 to vector<16xi32>
        %ge3A_289 = arith.cmpi sge, %get3A_280, %ge3A_288 : vector<16xi32>
        %add3A_290 = arith.constant 1 : i32
        %add3A_291 = vector.broadcast %add3A_290 : i32 to vector<16xi32>
        %add3A_292 = arith.addi %select_n3A_269, %add3A_291 : vector<16xi32>
        %select_n3A_293 = arith.select %ge3A_289, %add3A_292, %select_n3A_269 : vector<16xi1>, vector<16xi32>
        %ge3A_294 = vector.broadcast %add3A_33 : i32 to vector<16xi32>
        %ge3A_295 = arith.cmpi sge, %get3A_287, %ge3A_294 : vector<16xi32>
        %add3A_296 = arith.constant 1 : i32
        %add3A_297 = vector.broadcast %add3A_296 : i32 to vector<16xi32>
        %add3A_298 = arith.addi %select_n3A_275, %add3A_297 : vector<16xi32>
        %select_n3A_299 = arith.select %ge3A_295, %add3A_298, %select_n3A_275 : vector<16xi1>, vector<16xi32>
        %add3A_300 = arith.constant 96 : i32
        %add3A_301 = arith.addi %mul3A_156, %add3A_300 : i32
        %get3A_302 = arith.index_cast %add3A_301 : i32 to index
        %get3A_303 = tpu.vector_load %arg5[%get3A_302] {strides = array<i32>} : memref<16384xi32, #tpu.memory_space<vmem>>, vector<16xi32>,
        %get3A_304 = vector.shape_cast %get3A_303 : vector<16xi32> to vector<16xi32>
        %add3A_305 = arith.constant 8192 : i32
        %add3A_306 = arith.addi %add3A_305, %mul3A_156 : i32
        %add3A_307 = arith.constant 96 : i32
        %add3A_308 = arith.addi %add3A_306, %add3A_307 : i32
        %get3A_309 = arith.index_cast %add3A_308 : i32 to index
        %get3A_310 = tpu.vector_load %arg5[%get3A_309] {strides = array<i32>} : memref<16384xi32, #tpu.memory_space<vmem>>, vector<16xi32>,
        %get3A_311 = vector.shape_cast %get3A_310 : vector<16xi32> to vector<16xi32>
        %ge3A_312 = vector.broadcast %add3A_32 : i32 to vector<16xi32>
        %ge3A_313 = arith.cmpi sge, %get3A_304, %ge3A_312 : vector<16xi32>
        %add3A_314 = arith.constant 1 : i32
        %add3A_315 = vector.broadcast %add3A_314 : i32 to vector<16xi32>
        %add3A_316 = arith.addi %select_n3A_293, %add3A_315 : vector<16xi32>
        %select_n3A_317 = arith.select %ge3A_313, %add3A_316, %select_n3A_293 : vector<16xi1>, vector<16xi32>
        %ge3A_318 = vector.broadcast %add3A_33 : i32 to vector<16xi32>
        %ge3A_319 = arith.cmpi sge, %get3A_311, %ge3A_318 : vector<16xi32>
        %add3A_320 = arith.constant 1 : i32
        %add3A_321 = vector.broadcast %add3A_320 : i32 to vector<16xi32>
        %add3A_322 = arith.addi %select_n3A_299, %add3A_321 : vector<16xi32>
        %select_n3A_323 = arith.select %ge3A_319, %add3A_322, %select_n3A_299 : vector<16xi1>, vector<16xi32>
        %add3A_324 = arith.constant 112 : i32
        %add3A_325 = arith.addi %mul3A_156, %add3A_324 : i32
        %get3A_326 = arith.index_cast %add3A_325 : i32 to index
        %get3A_327 = tpu.vector_load %arg5[%get3A_326] {strides = array<i32>} : memref<16384xi32, #tpu.memory_space<vmem>>, vector<16xi32>,
        %get3A_328 = vector.shape_cast %get3A_327 : vector<16xi32> to vector<16xi32>
        %add3A_329 = arith.constant 8192 : i32
        %add3A_330 = arith.addi %add3A_329, %mul3A_156 : i32
        %add3A_331 = arith.constant 112 : i32
        %add3A_332 = arith.addi %add3A_330, %add3A_331 : i32
        %get3A_333 = arith.index_cast %add3A_332 : i32 to index
        %get3A_334 = tpu.vector_load %arg5[%get3A_333] {strides = array<i32>} : memref<16384xi32, #tpu.memory_space<vmem>>, vector<16xi32>,
        %get3A_335 = vector.shape_cast %get3A_334 : vector<16xi32> to vector<16xi32>
        %ge3A_336 = vector.broadcast %add3A_32 : i32 to vector<16xi32>
        %ge3A_337 = arith.cmpi sge, %get3A_328, %ge3A_336 : vector<16xi32>
        %add3A_338 = arith.constant 1 : i32
        %add3A_339 = vector.broadcast %add3A_338 : i32 to vector<16xi32>
        %add3A_340 = arith.addi %select_n3A_317, %add3A_339 : vector<16xi32>
        %select_n3A_341 = arith.select %ge3A_337, %add3A_340, %select_n3A_317 : vector<16xi1>, vector<16xi32>
        %ge3A_342 = vector.broadcast %add3A_33 : i32 to vector<16xi32>
        %ge3A_343 = arith.cmpi sge, %get3A_335, %ge3A_342 : vector<16xi32>
        %add3A_344 = arith.constant 1 : i32
        %add3A_345 = vector.broadcast %add3A_344 : i32 to vector<16xi32>
        %add3A_346 = arith.addi %select_n3A_323, %add3A_345 : vector<16xi32>
        %select_n3A_347 = arith.select %ge3A_343, %add3A_346, %select_n3A_323 : vector<16xi1>, vector<16xi32>
        scf.yield %select_n3A_341, %select_n3A_347 : vector<16xi32>, vector<16xi32>
      }
      %while3A_46 = arith.constant 1 : i32
      %while3A_47:2 = scf.for %while3A_152 = %while3A_43 to %while3A_39 step %while3A_46 iter_args(%while3A_153 = %while3A_45#0, %while3A_154 = %while3A_45#1) -> (vector<16xi32>, vector<16xi32>)  : i32 {
        %mul3A_155 = arith.constant 128 : i32
        %mul3A_156 = arith.muli %while3A_152, %mul3A_155 : i32
        %add3A_157 = arith.constant 0 : i32
        %add3A_158 = arith.addi %mul3A_156, %add3A_157 : i32
        %get3A = arith.index_cast %add3A_158 : i32 to index
        %get3A_159 = tpu.vector_load %arg5[%get3A] {strides = array<i32>} : memref<16384xi32, #tpu.memory_space<vmem>>, vector<16xi32>,
        %get3A_160 = vector.shape_cast %get3A_159 : vector<16xi32> to vector<16xi32>
        %add3A_161 = arith.constant 8192 : i32
        %add3A_162 = arith.addi %add3A_161, %mul3A_156 : i32
        %add3A_163 = arith.constant 0 : i32
        %add3A_164 = arith.addi %add3A_162, %add3A_163 : i32
        %get3A_165 = arith.index_cast %add3A_164 : i32 to index
        %get3A_166 = tpu.vector_load %arg5[%get3A_165] {strides = array<i32>} : memref<16384xi32, #tpu.memory_space<vmem>>, vector<16xi32>,
        %get3A_167 = vector.shape_cast %get3A_166 : vector<16xi32> to vector<16xi32>
        %ge3A_168 = vector.broadcast %add3A_32 : i32 to vector<16xi32>
        %ge3A_169 = arith.cmpi sge, %get3A_160, %ge3A_168 : vector<16xi32>
        %add3A_170 = arith.constant 1 : i32
        %add3A_171 = vector.broadcast %add3A_170 : i32 to vector<16xi32>
        %add3A_172 = arith.addi %while3A_153, %add3A_171 : vector<16xi32>
        %select_n3A_173 = arith.select %ge3A_169, %add3A_172, %while3A_153 : vector<16xi1>, vector<16xi32>
        %ge3A_174 = vector.broadcast %add3A_33 : i32 to vector<16xi32>
        %ge3A_175 = arith.cmpi sge, %get3A_167, %ge3A_174 : vector<16xi32>
        %add3A_176 = arith.constant 1 : i32
        %add3A_177 = vector.broadcast %add3A_176 : i32 to vector<16xi32>
        %add3A_178 = arith.addi %while3A_154, %add3A_177 : vector<16xi32>
        %select_n3A_179 = arith.select %ge3A_175, %add3A_178, %while3A_154 : vector<16xi1>, vector<16xi32>
        %add3A_180 = arith.constant 16 : i32
        %add3A_181 = arith.addi %mul3A_156, %add3A_180 : i32
        %get3A_182 = arith.index_cast %add3A_181 : i32 to index
        %get3A_183 = tpu.vector_load %arg5[%get3A_182] {strides = array<i32>} : memref<16384xi32, #tpu.memory_space<vmem>>, vector<16xi32>,
        %get3A_184 = vector.shape_cast %get3A_183 : vector<16xi32> to vector<16xi32>
        %add3A_185 = arith.constant 8192 : i32
        %add3A_186 = arith.addi %add3A_185, %mul3A_156 : i32
        %add3A_187 = arith.constant 16 : i32
        %add3A_188 = arith.addi %add3A_186, %add3A_187 : i32
        %get3A_189 = arith.index_cast %add3A_188 : i32 to index
        %get3A_190 = tpu.vector_load %arg5[%get3A_189] {strides = array<i32>} : memref<16384xi32, #tpu.memory_space<vmem>>, vector<16xi32>,
        %get3A_191 = vector.shape_cast %get3A_190 : vector<16xi32> to vector<16xi32>
        %ge3A_192 = vector.broadcast %add3A_32 : i32 to vector<16xi32>
        %ge3A_193 = arith.cmpi sge, %get3A_184, %ge3A_192 : vector<16xi32>
        %add3A_194 = arith.constant 1 : i32
        %add3A_195 = vector.broadcast %add3A_194 : i32 to vector<16xi32>
        %add3A_196 = arith.addi %select_n3A_173, %add3A_195 : vector<16xi32>
        %select_n3A_197 = arith.select %ge3A_193, %add3A_196, %select_n3A_173 : vector<16xi1>, vector<16xi32>
        %ge3A_198 = vector.broadcast %add3A_33 : i32 to vector<16xi32>
        %ge3A_199 = arith.cmpi sge, %get3A_191, %ge3A_198 : vector<16xi32>
        %add3A_200 = arith.constant 1 : i32
        %add3A_201 = vector.broadcast %add3A_200 : i32 to vector<16xi32>
        %add3A_202 = arith.addi %select_n3A_179, %add3A_201 : vector<16xi32>
        %select_n3A_203 = arith.select %ge3A_199, %add3A_202, %select_n3A_179 : vector<16xi1>, vector<16xi32>
        %add3A_204 = arith.constant 32 : i32
        %add3A_205 = arith.addi %mul3A_156, %add3A_204 : i32
        %get3A_206 = arith.index_cast %add3A_205 : i32 to index
        %get3A_207 = tpu.vector_load %arg5[%get3A_206] {strides = array<i32>} : memref<16384xi32, #tpu.memory_space<vmem>>, vector<16xi32>,
        %get3A_208 = vector.shape_cast %get3A_207 : vector<16xi32> to vector<16xi32>
        %add3A_209 = arith.constant 8192 : i32
        %add3A_210 = arith.addi %add3A_209, %mul3A_156 : i32
        %add3A_211 = arith.constant 32 : i32
        %add3A_212 = arith.addi %add3A_210, %add3A_211 : i32
        %get3A_213 = arith.index_cast %add3A_212 : i32 to index
        %get3A_214 = tpu.vector_load %arg5[%get3A_213] {strides = array<i32>} : memref<16384xi32, #tpu.memory_space<vmem>>, vector<16xi32>,
        %get3A_215 = vector.shape_cast %get3A_214 : vector<16xi32> to vector<16xi32>
        %ge3A_216 = vector.broadcast %add3A_32 : i32 to vector<16xi32>
        %ge3A_217 = arith.cmpi sge, %get3A_208, %ge3A_216 : vector<16xi32>
        %add3A_218 = arith.constant 1 : i32
        %add3A_219 = vector.broadcast %add3A_218 : i32 to vector<16xi32>
        %add3A_220 = arith.addi %select_n3A_197, %add3A_219 : vector<16xi32>
        %select_n3A_221 = arith.select %ge3A_217, %add3A_220, %select_n3A_197 : vector<16xi1>, vector<16xi32>
        %ge3A_222 = vector.broadcast %add3A_33 : i32 to vector<16xi32>
        %ge3A_223 = arith.cmpi sge, %get3A_215, %ge3A_222 : vector<16xi32>
        %add3A_224 = arith.constant 1 : i32
        %add3A_225 = vector.broadcast %add3A_224 : i32 to vector<16xi32>
        %add3A_226 = arith.addi %select_n3A_203, %add3A_225 : vector<16xi32>
        %select_n3A_227 = arith.select %ge3A_223, %add3A_226, %select_n3A_203 : vector<16xi1>, vector<16xi32>
        %add3A_228 = arith.constant 48 : i32
        %add3A_229 = arith.addi %mul3A_156, %add3A_228 : i32
        %get3A_230 = arith.index_cast %add3A_229 : i32 to index
        %get3A_231 = tpu.vector_load %arg5[%get3A_230] {strides = array<i32>} : memref<16384xi32, #tpu.memory_space<vmem>>, vector<16xi32>,
        %get3A_232 = vector.shape_cast %get3A_231 : vector<16xi32> to vector<16xi32>
        %add3A_233 = arith.constant 8192 : i32
        %add3A_234 = arith.addi %add3A_233, %mul3A_156 : i32
        %add3A_235 = arith.constant 48 : i32
        %add3A_236 = arith.addi %add3A_234, %add3A_235 : i32
        %get3A_237 = arith.index_cast %add3A_236 : i32 to index
        %get3A_238 = tpu.vector_load %arg5[%get3A_237] {strides = array<i32>} : memref<16384xi32, #tpu.memory_space<vmem>>, vector<16xi32>,
        %get3A_239 = vector.shape_cast %get3A_238 : vector<16xi32> to vector<16xi32>
        %ge3A_240 = vector.broadcast %add3A_32 : i32 to vector<16xi32>
        %ge3A_241 = arith.cmpi sge, %get3A_232, %ge3A_240 : vector<16xi32>
        %add3A_242 = arith.constant 1 : i32
        %add3A_243 = vector.broadcast %add3A_242 : i32 to vector<16xi32>
        %add3A_244 = arith.addi %select_n3A_221, %add3A_243 : vector<16xi32>
        %select_n3A_245 = arith.select %ge3A_241, %add3A_244, %select_n3A_221 : vector<16xi1>, vector<16xi32>
        %ge3A_246 = vector.broadcast %add3A_33 : i32 to vector<16xi32>
        %ge3A_247 = arith.cmpi sge, %get3A_239, %ge3A_246 : vector<16xi32>
        %add3A_248 = arith.constant 1 : i32
        %add3A_249 = vector.broadcast %add3A_248 : i32 to vector<16xi32>
        %add3A_250 = arith.addi %select_n3A_227, %add3A_249 : vector<16xi32>
        %select_n3A_251 = arith.select %ge3A_247, %add3A_250, %select_n3A_227 : vector<16xi1>, vector<16xi32>
        %add3A_252 = arith.constant 64 : i32
        %add3A_253 = arith.addi %mul3A_156, %add3A_252 : i32
        %get3A_254 = arith.index_cast %add3A_253 : i32 to index
        %get3A_255 = tpu.vector_load %arg5[%get3A_254] {strides = array<i32>} : memref<16384xi32, #tpu.memory_space<vmem>>, vector<16xi32>,
        %get3A_256 = vector.shape_cast %get3A_255 : vector<16xi32> to vector<16xi32>
        %add3A_257 = arith.constant 8192 : i32
        %add3A_258 = arith.addi %add3A_257, %mul3A_156 : i32
        %add3A_259 = arith.constant 64 : i32
        %add3A_260 = arith.addi %add3A_258, %add3A_259 : i32
        %get3A_261 = arith.index_cast %add3A_260 : i32 to index
        %get3A_262 = tpu.vector_load %arg5[%get3A_261] {strides = array<i32>} : memref<16384xi32, #tpu.memory_space<vmem>>, vector<16xi32>,
        %get3A_263 = vector.shape_cast %get3A_262 : vector<16xi32> to vector<16xi32>
        %ge3A_264 = vector.broadcast %add3A_32 : i32 to vector<16xi32>
        %ge3A_265 = arith.cmpi sge, %get3A_256, %ge3A_264 : vector<16xi32>
        %add3A_266 = arith.constant 1 : i32
        %add3A_267 = vector.broadcast %add3A_266 : i32 to vector<16xi32>
        %add3A_268 = arith.addi %select_n3A_245, %add3A_267 : vector<16xi32>
        %select_n3A_269 = arith.select %ge3A_265, %add3A_268, %select_n3A_245 : vector<16xi1>, vector<16xi32>
        %ge3A_270 = vector.broadcast %add3A_33 : i32 to vector<16xi32>
        %ge3A_271 = arith.cmpi sge, %get3A_263, %ge3A_270 : vector<16xi32>
        %add3A_272 = arith.constant 1 : i32
        %add3A_273 = vector.broadcast %add3A_272 : i32 to vector<16xi32>
        %add3A_274 = arith.addi %select_n3A_251, %add3A_273 : vector<16xi32>
        %select_n3A_275 = arith.select %ge3A_271, %add3A_274, %select_n3A_251 : vector<16xi1>, vector<16xi32>
        %add3A_276 = arith.constant 80 : i32
        %add3A_277 = arith.addi %mul3A_156, %add3A_276 : i32
        %get3A_278 = arith.index_cast %add3A_277 : i32 to index
        %get3A_279 = tpu.vector_load %arg5[%get3A_278] {strides = array<i32>} : memref<16384xi32, #tpu.memory_space<vmem>>, vector<16xi32>,
        %get3A_280 = vector.shape_cast %get3A_279 : vector<16xi32> to vector<16xi32>
        %add3A_281 = arith.constant 8192 : i32
        %add3A_282 = arith.addi %add3A_281, %mul3A_156 : i32
        %add3A_283 = arith.constant 80 : i32
        %add3A_284 = arith.addi %add3A_282, %add3A_283 : i32
        %get3A_285 = arith.index_cast %add3A_284 : i32 to index
        %get3A_286 = tpu.vector_load %arg5[%get3A_285] {strides = array<i32>} : memref<16384xi32, #tpu.memory_space<vmem>>, vector<16xi32>,
        %get3A_287 = vector.shape_cast %get3A_286 : vector<16xi32> to vector<16xi32>
        %ge3A_288 = vector.broadcast %add3A_32 : i32 to vector<16xi32>
        %ge3A_289 = arith.cmpi sge, %get3A_280, %ge3A_288 : vector<16xi32>
        %add3A_290 = arith.constant 1 : i32
        %add3A_291 = vector.broadcast %add3A_290 : i32 to vector<16xi32>
        %add3A_292 = arith.addi %select_n3A_269, %add3A_291 : vector<16xi32>
        %select_n3A_293 = arith.select %ge3A_289, %add3A_292, %select_n3A_269 : vector<16xi1>, vector<16xi32>
        %ge3A_294 = vector.broadcast %add3A_33 : i32 to vector<16xi32>
        %ge3A_295 = arith.cmpi sge, %get3A_287, %ge3A_294 : vector<16xi32>
        %add3A_296 = arith.constant 1 : i32
        %add3A_297 = vector.broadcast %add3A_296 : i32 to vector<16xi32>
        %add3A_298 = arith.addi %select_n3A_275, %add3A_297 : vector<16xi32>
        %select_n3A_299 = arith.select %ge3A_295, %add3A_298, %select_n3A_275 : vector<16xi1>, vector<16xi32>
        %add3A_300 = arith.constant 96 : i32
        %add3A_301 = arith.addi %mul3A_156, %add3A_300 : i32
        %get3A_302 = arith.index_cast %add3A_301 : i32 to index
        %get3A_303 = tpu.vector_load %arg5[%get3A_302] {strides = array<i32>} : memref<16384xi32, #tpu.memory_space<vmem>>, vector<16xi32>,
        %get3A_304 = vector.shape_cast %get3A_303 : vector<16xi32> to vector<16xi32>
        %add3A_305 = arith.constant 8192 : i32
        %add3A_306 = arith.addi %add3A_305, %mul3A_156 : i32
        %add3A_307 = arith.constant 96 : i32
        %add3A_308 = arith.addi %add3A_306, %add3A_307 : i32
        %get3A_309 = arith.index_cast %add3A_308 : i32 to index
        %get3A_310 = tpu.vector_load %arg5[%get3A_309] {strides = array<i32>} : memref<16384xi32, #tpu.memory_space<vmem>>, vector<16xi32>,
        %get3A_311 = vector.shape_cast %get3A_310 : vector<16xi32> to vector<16xi32>
        %ge3A_312 = vector.broadcast %add3A_32 : i32 to vector<16xi32>
        %ge3A_313 = arith.cmpi sge, %get3A_304, %ge3A_312 : vector<16xi32>
        %add3A_314 = arith.constant 1 : i32
        %add3A_315 = vector.broadcast %add3A_314 : i32 to vector<16xi32>
        %add3A_316 = arith.addi %select_n3A_293, %add3A_315 : vector<16xi32>
        %select_n3A_317 = arith.select %ge3A_313, %add3A_316, %select_n3A_293 : vector<16xi1>, vector<16xi32>
        %ge3A_318 = vector.broadcast %add3A_33 : i32 to vector<16xi32>
        %ge3A_319 = arith.cmpi sge, %get3A_311, %ge3A_318 : vector<16xi32>
        %add3A_320 = arith.constant 1 : i32
        %add3A_321 = vector.broadcast %add3A_320 : i32 to vector<16xi32>
        %add3A_322 = arith.addi %select_n3A_299, %add3A_321 : vector<16xi32>
        %select_n3A_323 = arith.select %ge3A_319, %add3A_322, %select_n3A_299 : vector<16xi1>, vector<16xi32>
        %add3A_324 = arith.constant 112 : i32
        %add3A_325 = arith.addi %mul3A_156, %add3A_324 : i32
        %get3A_326 = arith.index_cast %add3A_325 : i32 to index
        %get3A_327 = tpu.vector_load %arg5[%get3A_326] {strides = array<i32>} : memref<16384xi32, #tpu.memory_space<vmem>>, vector<16xi32>,
        %get3A_328 = vector.shape_cast %get3A_327 : vector<16xi32> to vector<16xi32>
        %add3A_329 = arith.constant 8192 : i32
        %add3A_330 = arith.addi %add3A_329, %mul3A_156 : i32
        %add3A_331 = arith.constant 112 : i32
        %add3A_332 = arith.addi %add3A_330, %add3A_331 : i32
        %get3A_333 = arith.index_cast %add3A_332 : i32 to index
        %get3A_334 = tpu.vector_load %arg5[%get3A_333] {strides = array<i32>} : memref<16384xi32, #tpu.memory_space<vmem>>, vector<16xi32>,
        %get3A_335 = vector.shape_cast %get3A_334 : vector<16xi32> to vector<16xi32>
        %ge3A_336 = vector.broadcast %add3A_32 : i32 to vector<16xi32>
        %ge3A_337 = arith.cmpi sge, %get3A_328, %ge3A_336 : vector<16xi32>
        %add3A_338 = arith.constant 1 : i32
        %add3A_339 = vector.broadcast %add3A_338 : i32 to vector<16xi32>
        %add3A_340 = arith.addi %select_n3A_317, %add3A_339 : vector<16xi32>
        %select_n3A_341 = arith.select %ge3A_337, %add3A_340, %select_n3A_317 : vector<16xi1>, vector<16xi32>
        %ge3A_342 = vector.broadcast %add3A_33 : i32 to vector<16xi32>
        %ge3A_343 = arith.cmpi sge, %get3A_335, %ge3A_342 : vector<16xi32>
        %add3A_344 = arith.constant 1 : i32
        %add3A_345 = vector.broadcast %add3A_344 : i32 to vector<16xi32>
        %add3A_346 = arith.addi %select_n3A_323, %add3A_345 : vector<16xi32>
        %select_n3A_347 = arith.select %ge3A_343, %add3A_346, %select_n3A_323 : vector<16xi1>, vector<16xi32>
        scf.yield %select_n3A_341, %select_n3A_347 : vector<16xi32>, vector<16xi32>
      }
      %slice3A = vector.extract_strided_slice %while3A_47#0 {offsets = [0], sizes = [1], strides = [1]} : vector<16xi32> to vector<1xi32>
      %squeeze3A = vector.extract %slice3A[0] : i32 from vector<1xi32>
      %slice3A_48 = vector.extract_strided_slice %while3A_47#0 {offsets = [1], sizes = [1], strides = [1]} : vector<16xi32> to vector<1xi32>
      %squeeze3A_49 = vector.extract %slice3A_48[0] : i32 from vector<1xi32>
      %add3A_50 = arith.addi %squeeze3A, %squeeze3A_49 : i32
      %slice3A_51 = vector.extract_strided_slice %while3A_47#0 {offsets = [2], sizes = [1], strides = [1]} : vector<16xi32> to vector<1xi32>
      %squeeze3A_52 = vector.extract %slice3A_51[0] : i32 from vector<1xi32>
      %add3A_53 = arith.addi %add3A_50, %squeeze3A_52 : i32
      %slice3A_54 = vector.extract_strided_slice %while3A_47#0 {offsets = [3], sizes = [1], strides = [1]} : vector<16xi32> to vector<1xi32>
      %squeeze3A_55 = vector.extract %slice3A_54[0] : i32 from vector<1xi32>
      %add3A_56 = arith.addi %add3A_53, %squeeze3A_55 : i32
      %slice3A_57 = vector.extract_strided_slice %while3A_47#0 {offsets = [4], sizes = [1], strides = [1]} : vector<16xi32> to vector<1xi32>
      %squeeze3A_58 = vector.extract %slice3A_57[0] : i32 from vector<1xi32>
      %add3A_59 = arith.addi %add3A_56, %squeeze3A_58 : i32
      %slice3A_60 = vector.extract_strided_slice %while3A_47#0 {offsets = [5], sizes = [1], strides = [1]} : vector<16xi32> to vector<1xi32>
      %squeeze3A_61 = vector.extract %slice3A_60[0] : i32 from vector<1xi32>
      %add3A_62 = arith.addi %add3A_59, %squeeze3A_61 : i32
      %slice3A_63 = vector.extract_strided_slice %while3A_47#0 {offsets = [6], sizes = [1], strides = [1]} : vector<16xi32> to vector<1xi32>
      %squeeze3A_64 = vector.extract %slice3A_63[0] : i32 from vector<1xi32>
      %add3A_65 = arith.addi %add3A_62, %squeeze3A_64 : i32
      %slice3A_66 = vector.extract_strided_slice %while3A_47#0 {offsets = [7], sizes = [1], strides = [1]} : vector<16xi32> to vector<1xi32>
      %squeeze3A_67 = vector.extract %slice3A_66[0] : i32 from vector<1xi32>
      %add3A_68 = arith.addi %add3A_65, %squeeze3A_67 : i32
      %slice3A_69 = vector.extract_strided_slice %while3A_47#0 {offsets = [8], sizes = [1], strides = [1]} : vector<16xi32> to vector<1xi32>
      %squeeze3A_70 = vector.extract %slice3A_69[0] : i32 from vector<1xi32>
      %add3A_71 = arith.addi %add3A_68, %squeeze3A_70 : i32
      %slice3A_72 = vector.extract_strided_slice %while3A_47#0 {offsets = [9], sizes = [1], strides = [1]} : vector<16xi32> to vector<1xi32>
      %squeeze3A_73 = vector.extract %slice3A_72[0] : i32 from vector<1xi32>
      %add3A_74 = arith.addi %add3A_71, %squeeze3A_73 : i32
      %slice3A_75 = vector.extract_strided_slice %while3A_47#0 {offsets = [10], sizes = [1], strides = [1]} : vector<16xi32> to vector<1xi32>
      %squeeze3A_76 = vector.extract %slice3A_75[0] : i32 from vector<1xi32>
      %add3A_77 = arith.addi %add3A_74, %squeeze3A_76 : i32
      %slice3A_78 = vector.extract_strided_slice %while3A_47#0 {offsets = [11], sizes = [1], strides = [1]} : vector<16xi32> to vector<1xi32>
      %squeeze3A_79 = vector.extract %slice3A_78[0] : i32 from vector<1xi32>
      %add3A_80 = arith.addi %add3A_77, %squeeze3A_79 : i32
      %slice3A_81 = vector.extract_strided_slice %while3A_47#0 {offsets = [12], sizes = [1], strides = [1]} : vector<16xi32> to vector<1xi32>
      %squeeze3A_82 = vector.extract %slice3A_81[0] : i32 from vector<1xi32>
      %add3A_83 = arith.addi %add3A_80, %squeeze3A_82 : i32
      %slice3A_84 = vector.extract_strided_slice %while3A_47#0 {offsets = [13], sizes = [1], strides = [1]} : vector<16xi32> to vector<1xi32>
      %squeeze3A_85 = vector.extract %slice3A_84[0] : i32 from vector<1xi32>
      %add3A_86 = arith.addi %add3A_83, %squeeze3A_85 : i32
      %slice3A_87 = vector.extract_strided_slice %while3A_47#0 {offsets = [14], sizes = [1], strides = [1]} : vector<16xi32> to vector<1xi32>
      %squeeze3A_88 = vector.extract %slice3A_87[0] : i32 from vector<1xi32>
      %add3A_89 = arith.addi %add3A_86, %squeeze3A_88 : i32
      %slice3A_90 = vector.extract_strided_slice %while3A_47#0 {offsets = [15], sizes = [1], strides = [1]} : vector<16xi32> to vector<1xi32>
      %squeeze3A_91 = vector.extract %slice3A_90[0] : i32 from vector<1xi32>
      %add3A_92 = arith.addi %add3A_89, %squeeze3A_91 : i32
      %slice3A_93 = vector.extract_strided_slice %while3A_47#1 {offsets = [0], sizes = [1], strides = [1]} : vector<16xi32> to vector<1xi32>
      %squeeze3A_94 = vector.extract %slice3A_93[0] : i32 from vector<1xi32>
      %slice3A_95 = vector.extract_strided_slice %while3A_47#1 {offsets = [1], sizes = [1], strides = [1]} : vector<16xi32> to vector<1xi32>
      %squeeze3A_96 = vector.extract %slice3A_95[0] : i32 from vector<1xi32>
      %add3A_97 = arith.addi %squeeze3A_94, %squeeze3A_96 : i32
      %slice3A_98 = vector.extract_strided_slice %while3A_47#1 {offsets = [2], sizes = [1], strides = [1]} : vector<16xi32> to vector<1xi32>
      %squeeze3A_99 = vector.extract %slice3A_98[0] : i32 from vector<1xi32>
      %add3A_100 = arith.addi %add3A_97, %squeeze3A_99 : i32
      %slice3A_101 = vector.extract_strided_slice %while3A_47#1 {offsets = [3], sizes = [1], strides = [1]} : vector<16xi32> to vector<1xi32>
      %squeeze3A_102 = vector.extract %slice3A_101[0] : i32 from vector<1xi32>
      %add3A_103 = arith.addi %add3A_100, %squeeze3A_102 : i32
      %slice3A_104 = vector.extract_strided_slice %while3A_47#1 {offsets = [4], sizes = [1], strides = [1]} : vector<16xi32> to vector<1xi32>
      %squeeze3A_105 = vector.extract %slice3A_104[0] : i32 from vector<1xi32>
      %add3A_106 = arith.addi %add3A_103, %squeeze3A_105 : i32
      %slice3A_107 = vector.extract_strided_slice %while3A_47#1 {offsets = [5], sizes = [1], strides = [1]} : vector<16xi32> to vector<1xi32>
      %squeeze3A_108 = vector.extract %slice3A_107[0] : i32 from vector<1xi32>
      %add3A_109 = arith.addi %add3A_106, %squeeze3A_108 : i32
      %slice3A_110 = vector.extract_strided_slice %while3A_47#1 {offsets = [6], sizes = [1], strides = [1]} : vector<16xi32> to vector<1xi32>
      %squeeze3A_111 = vector.extract %slice3A_110[0] : i32 from vector<1xi32>
      %add3A_112 = arith.addi %add3A_109, %squeeze3A_111 : i32
      %slice3A_113 = vector.extract_strided_slice %while3A_47#1 {offsets = [7], sizes = [1], strides = [1]} : vector<16xi32> to vector<1xi32>
      %squeeze3A_114 = vector.extract %slice3A_113[0] : i32 from vector<1xi32>
      %add3A_115 = arith.addi %add3A_112, %squeeze3A_114 : i32
      %slice3A_116 = vector.extract_strided_slice %while3A_47#1 {offsets = [8], sizes = [1], strides = [1]} : vector<16xi32> to vector<1xi32>
      %squeeze3A_117 = vector.extract %slice3A_116[0] : i32 from vector<1xi32>
      %add3A_118 = arith.addi %add3A_115, %squeeze3A_117 : i32
      %slice3A_119 = vector.extract_strided_slice %while3A_47#1 {offsets = [9], sizes = [1], strides = [1]} : vector<16xi32> to vector<1xi32>
      %squeeze3A_120 = vector.extract %slice3A_119[0] : i32 from vector<1xi32>
      %add3A_121 = arith.addi %add3A_118, %squeeze3A_120 : i32
      %slice3A_122 = vector.extract_strided_slice %while3A_47#1 {offsets = [10], sizes = [1], strides = [1]} : vector<16xi32> to vector<1xi32>
      %squeeze3A_123 = vector.extract %slice3A_122[0] : i32 from vector<1xi32>
      %add3A_124 = arith.addi %add3A_121, %squeeze3A_123 : i32
      %slice3A_125 = vector.extract_strided_slice %while3A_47#1 {offsets = [11], sizes = [1], strides = [1]} : vector<16xi32> to vector<1xi32>
      %squeeze3A_126 = vector.extract %slice3A_125[0] : i32 from vector<1xi32>
      %add3A_127 = arith.addi %add3A_124, %squeeze3A_126 : i32
      %slice3A_128 = vector.extract_strided_slice %while3A_47#1 {offsets = [12], sizes = [1], strides = [1]} : vector<16xi32> to vector<1xi32>
      %squeeze3A_129 = vector.extract %slice3A_128[0] : i32 from vector<1xi32>
      %add3A_130 = arith.addi %add3A_127, %squeeze3A_129 : i32
      %slice3A_131 = vector.extract_strided_slice %while3A_47#1 {offsets = [13], sizes = [1], strides = [1]} : vector<16xi32> to vector<1xi32>
      %squeeze3A_132 = vector.extract %slice3A_131[0] : i32 from vector<1xi32>
      %add3A_133 = arith.addi %add3A_130, %squeeze3A_132 : i32
      %slice3A_134 = vector.extract_strided_slice %while3A_47#1 {offsets = [14], sizes = [1], strides = [1]} : vector<16xi32> to vector<1xi32>
      %squeeze3A_135 = vector.extract %slice3A_134[0] : i32 from vector<1xi32>
      %add3A_136 = arith.addi %add3A_133, %squeeze3A_135 : i32
      %slice3A_137 = vector.extract_strided_slice %while3A_47#1 {offsets = [15], sizes = [1], strides = [1]} : vector<16xi32> to vector<1xi32>
      %squeeze3A_138 = vector.extract %slice3A_137[0] : i32 from vector<1xi32>
      %add3A_139 = arith.addi %add3A_136, %squeeze3A_138 : i32
      %ne3A = arith.constant 256 : i32
      %ne3A_140 = arith.cmpi ne, %scan3A_28, %ne3A : i32
      %ge3A = arith.constant 256 : i32
      %ge3A_141 = arith.cmpi sge, %add3A_92, %ge3A : i32
      %and3A_142 = arith.andi %ne3A_140, %ge3A_141 : i1
      %ne3A_143 = arith.constant 256 : i32
      %ne3A_144 = arith.cmpi ne, %scan3A_29, %ne3A_143 : i32
      %ge3A_145 = arith.constant 256 : i32
      %ge3A_146 = arith.cmpi sge, %add3A_139, %ge3A_145 : i32
      %and3A_147 = arith.andi %ne3A_144, %ge3A_146 : i1
      %select_n3A_148 = arith.select %and3A_142, %add3A_32, %scan3A_26 : i32
      %select_n3A_149 = arith.select %and3A_147, %add3A_33, %scan3A_27 : i32
      %select_n3A_150 = arith.select %and3A_142, %add3A_92, %scan3A_28 : i32
      %select_n3A_151 = arith.select %and3A_147, %add3A_139, %scan3A_29 : i32
      scf.yield %select_n3A_148, %select_n3A_149, %select_n3A_150, %select_n3A_151 : i32, i32, i32, i32
    }
    %scan3A_18 = arith.constant 32 : i32
    %scan3A_19 = arith.constant 0 : i32
    %scan3A_20 = arith.constant 0 : i32
    %scan3A_21 = arith.constant 64 : i32
    %scan3A_22 = arith.addi %scan3A_20, %scan3A_21 : i32
    %scan3A_23 = arith.constant 1 : i32
    scf.for %scan3A_25 = %scan3A_20 to %scan3A_22 step %scan3A_23  : i32 {
      %mul3A_26 = arith.constant 128 : i32
      %mul3A_27 = arith.muli %scan3A_25, %mul3A_26 : i32
      %add3A_28 = arith.constant 0 : i32
      %add3A_29 = arith.addi %add3A_28, %mul3A_27 : i32
      %add3A_30 = arith.constant 0 : i32
      %add3A_31 = arith.addi %add3A_29, %add3A_30 : i32
      %get3A = arith.index_cast %add3A_31 : i32 to index
      %get3A_32 = tpu.vector_load %arg4[%get3A] {strides = array<i32>} : memref<16384xf32, #tpu.memory_space<vmem>>, vector<16xf32>,
      %get3A_33 = vector.shape_cast %get3A_32 : vector<16xf32> to vector<16xf32>
      %add3A_34 = arith.constant 0 : i32
      %add3A_35 = arith.addi %add3A_34, %mul3A_27 : i32
      %add3A_36 = arith.constant 0 : i32
      %add3A_37 = arith.addi %add3A_35, %add3A_36 : i32
      %get3A_38 = arith.index_cast %add3A_37 : i32 to index
      %get3A_39 = tpu.vector_load %arg5[%get3A_38] {strides = array<i32>} : memref<16384xi32, #tpu.memory_space<vmem>>, vector<16xi32>,
      %get3A_40 = vector.shape_cast %get3A_39 : vector<16xi32> to vector<16xi32>
      %ge3A = vector.broadcast %scan3A_17#0 : i32 to vector<16xi32>
      %ge3A_41 = arith.cmpi sge, %get3A_40, %ge3A : vector<16xi32>
      %jit3A = arith.constant 0.000000e+00 : f32
      %broadcast_in_dim3A_42 = vector.broadcast %jit3A : f32 to vector<16xf32>
      %select_n3A = arith.select %ge3A_41, %get3A_33, %broadcast_in_dim3A_42 : vector<16xi1>, vector<16xf32>
      %add3A_43 = arith.constant 0 : i32
      %add3A_44 = arith.addi %add3A_43, %mul3A_27 : i32
      %add3A_45 = arith.constant 0 : i32
      %add3A_46 = arith.addi %add3A_44, %add3A_45 : i32
      %swap3A = arith.index_cast %add3A_46 : i32 to index
      %swap3A_47 = tpu.vector_load %arg4[%swap3A] {strides = array<i32>} : memref<16384xf32, #tpu.memory_space<vmem>>, vector<16xf32>,
      %swap3A_48 = vector.shape_cast %swap3A_47 : vector<16xf32> to vector<16xf32>
      %swap3A_49 = vector.shape_cast %select_n3A : vector<16xf32> to vector<16xf32>
      tpu.vector_store %arg4[%swap3A], %swap3A_49 {strides = array<i32>} : memref<16384xf32, #tpu.memory_space<vmem>>, vector<16xf32>,
      %add3A_50 = arith.constant 8192 : i32
      %add3A_51 = arith.addi %add3A_50, %mul3A_27 : i32
      %add3A_52 = arith.constant 0 : i32
      %add3A_53 = arith.addi %add3A_51, %add3A_52 : i32
      %get3A_54 = arith.index_cast %add3A_53 : i32 to index
      %get3A_55 = tpu.vector_load %arg4[%get3A_54] {strides = array<i32>} : memref<16384xf32, #tpu.memory_space<vmem>>, vector<16xf32>,
      %get3A_56 = vector.shape_cast %get3A_55 : vector<16xf32> to vector<16xf32>
      %add3A_57 = arith.constant 8192 : i32
      %add3A_58 = arith.addi %add3A_57, %mul3A_27 : i32
      %add3A_59 = arith.constant 0 : i32
      %add3A_60 = arith.addi %add3A_58, %add3A_59 : i32
      %get3A_61 = arith.index_cast %add3A_60 : i32 to index
      %get3A_62 = tpu.vector_load %arg5[%get3A_61] {strides = array<i32>} : memref<16384xi32, #tpu.memory_space<vmem>>, vector<16xi32>,
      %get3A_63 = vector.shape_cast %get3A_62 : vector<16xi32> to vector<16xi32>
      %ge3A_64 = vector.broadcast %scan3A_17#1 : i32 to vector<16xi32>
      %ge3A_65 = arith.cmpi sge, %get3A_63, %ge3A_64 : vector<16xi32>
      %jit3A_66 = arith.constant 0.000000e+00 : f32
      %broadcast_in_dim3A_67 = vector.broadcast %jit3A_66 : f32 to vector<16xf32>
      %select_n3A_68 = arith.select %ge3A_65, %get3A_56, %broadcast_in_dim3A_67 : vector<16xi1>, vector<16xf32>
      %add3A_69 = arith.constant 8192 : i32
      %add3A_70 = arith.addi %add3A_69, %mul3A_27 : i32
      %add3A_71 = arith.constant 0 : i32
      %add3A_72 = arith.addi %add3A_70, %add3A_71 : i32
      %swap3A_73 = arith.index_cast %add3A_72 : i32 to index
      %swap3A_74 = tpu.vector_load %arg4[%swap3A_73] {strides = array<i32>} : memref<16384xf32, #tpu.memory_space<vmem>>, vector<16xf32>,
      %swap3A_75 = vector.shape_cast %swap3A_74 : vector<16xf32> to vector<16xf32>
      %swap3A_76 = vector.shape_cast %select_n3A_68 : vector<16xf32> to vector<16xf32>
      tpu.vector_store %arg4[%swap3A_73], %swap3A_76 {strides = array<i32>} : memref<16384xf32, #tpu.memory_space<vmem>>, vector<16xf32>,
      %add3A_77 = arith.constant 0 : i32
      %add3A_78 = arith.addi %add3A_77, %mul3A_27 : i32
      %add3A_79 = arith.constant 16 : i32
      %add3A_80 = arith.addi %add3A_78, %add3A_79 : i32
      %get3A_81 = arith.index_cast %add3A_80 : i32 to index
      %get3A_82 = tpu.vector_load %arg4[%get3A_81] {strides = array<i32>} : memref<16384xf32, #tpu.memory_space<vmem>>, vector<16xf32>,
      %get3A_83 = vector.shape_cast %get3A_82 : vector<16xf32> to vector<16xf32>
      %add3A_84 = arith.constant 0 : i32
      %add3A_85 = arith.addi %add3A_84, %mul3A_27 : i32
      %add3A_86 = arith.constant 16 : i32
      %add3A_87 = arith.addi %add3A_85, %add3A_86 : i32
      %get3A_88 = arith.index_cast %add3A_87 : i32 to index
      %get3A_89 = tpu.vector_load %arg5[%get3A_88] {strides = array<i32>} : memref<16384xi32, #tpu.memory_space<vmem>>, vector<16xi32>,
      %get3A_90 = vector.shape_cast %get3A_89 : vector<16xi32> to vector<16xi32>
      %ge3A_91 = vector.broadcast %scan3A_17#0 : i32 to vector<16xi32>
      %ge3A_92 = arith.cmpi sge, %get3A_90, %ge3A_91 : vector<16xi32>
      %jit3A_93 = arith.constant 0.000000e+00 : f32
      %broadcast_in_dim3A_94 = vector.broadcast %jit3A_93 : f32 to vector<16xf32>
      %select_n3A_95 = arith.select %ge3A_92, %get3A_83, %broadcast_in_dim3A_94 : vector<16xi1>, vector<16xf32>
      %add3A_96 = arith.constant 0 : i32
      %add3A_97 = arith.addi %add3A_96, %mul3A_27 : i32
      %add3A_98 = arith.constant 16 : i32
      %add3A_99 = arith.addi %add3A_97, %add3A_98 : i32
      %swap3A_100 = arith.index_cast %add3A_99 : i32 to index
      %swap3A_101 = tpu.vector_load %arg4[%swap3A_100] {strides = array<i32>} : memref<16384xf32, #tpu.memory_space<vmem>>, vector<16xf32>,
      %swap3A_102 = vector.shape_cast %swap3A_101 : vector<16xf32> to vector<16xf32>
      %swap3A_103 = vector.shape_cast %select_n3A_95 : vector<16xf32> to vector<16xf32>
      tpu.vector_store %arg4[%swap3A_100], %swap3A_103 {strides = array<i32>} : memref<16384xf32, #tpu.memory_space<vmem>>, vector<16xf32>,
      %add3A_104 = arith.constant 8192 : i32
      %add3A_105 = arith.addi %add3A_104, %mul3A_27 : i32
      %add3A_106 = arith.constant 16 : i32
      %add3A_107 = arith.addi %add3A_105, %add3A_106 : i32
      %get3A_108 = arith.index_cast %add3A_107 : i32 to index
      %get3A_109 = tpu.vector_load %arg4[%get3A_108] {strides = array<i32>} : memref<16384xf32, #tpu.memory_space<vmem>>, vector<16xf32>,
      %get3A_110 = vector.shape_cast %get3A_109 : vector<16xf32> to vector<16xf32>
      %add3A_111 = arith.constant 8192 : i32
      %add3A_112 = arith.addi %add3A_111, %mul3A_27 : i32
      %add3A_113 = arith.constant 16 : i32
      %add3A_114 = arith.addi %add3A_112, %add3A_113 : i32
      %get3A_115 = arith.index_cast %add3A_114 : i32 to index
      %get3A_116 = tpu.vector_load %arg5[%get3A_115] {strides = array<i32>} : memref<16384xi32, #tpu.memory_space<vmem>>, vector<16xi32>,
      %get3A_117 = vector.shape_cast %get3A_116 : vector<16xi32> to vector<16xi32>
      %ge3A_118 = vector.broadcast %scan3A_17#1 : i32 to vector<16xi32>
      %ge3A_119 = arith.cmpi sge, %get3A_117, %ge3A_118 : vector<16xi32>
      %jit3A_120 = arith.constant 0.000000e+00 : f32
      %broadcast_in_dim3A_121 = vector.broadcast %jit3A_120 : f32 to vector<16xf32>
      %select_n3A_122 = arith.select %ge3A_119, %get3A_110, %broadcast_in_dim3A_121 : vector<16xi1>, vector<16xf32>
      %add3A_123 = arith.constant 8192 : i32
      %add3A_124 = arith.addi %add3A_123, %mul3A_27 : i32
      %add3A_125 = arith.constant 16 : i32
      %add3A_126 = arith.addi %add3A_124, %add3A_125 : i32
      %swap3A_127 = arith.index_cast %add3A_126 : i32 to index
      %swap3A_128 = tpu.vector_load %arg4[%swap3A_127] {strides = array<i32>} : memref<16384xf32, #tpu.memory_space<vmem>>, vector<16xf32>,
      %swap3A_129 = vector.shape_cast %swap3A_128 : vector<16xf32> to vector<16xf32>
      %swap3A_130 = vector.shape_cast %select_n3A_122 : vector<16xf32> to vector<16xf32>
      tpu.vector_store %arg4[%swap3A_127], %swap3A_130 {strides = array<i32>} : memref<16384xf32, #tpu.memory_space<vmem>>, vector<16xf32>,
      %add3A_131 = arith.constant 0 : i32
      %add3A_132 = arith.addi %add3A_131, %mul3A_27 : i32
      %add3A_133 = arith.constant 32 : i32
      %add3A_134 = arith.addi %add3A_132, %add3A_133 : i32
      %get3A_135 = arith.index_cast %add3A_134 : i32 to index
      %get3A_136 = tpu.vector_load %arg4[%get3A_135] {strides = array<i32>} : memref<16384xf32, #tpu.memory_space<vmem>>, vector<16xf32>,
      %get3A_137 = vector.shape_cast %get3A_136 : vector<16xf32> to vector<16xf32>
      %add3A_138 = arith.constant 0 : i32
      %add3A_139 = arith.addi %add3A_138, %mul3A_27 : i32
      %add3A_140 = arith.constant 32 : i32
      %add3A_141 = arith.addi %add3A_139, %add3A_140 : i32
      %get3A_142 = arith.index_cast %add3A_141 : i32 to index
      %get3A_143 = tpu.vector_load %arg5[%get3A_142] {strides = array<i32>} : memref<16384xi32, #tpu.memory_space<vmem>>, vector<16xi32>,
      %get3A_144 = vector.shape_cast %get3A_143 : vector<16xi32> to vector<16xi32>
      %ge3A_145 = vector.broadcast %scan3A_17#0 : i32 to vector<16xi32>
      %ge3A_146 = arith.cmpi sge, %get3A_144, %ge3A_145 : vector<16xi32>
      %jit3A_147 = arith.constant 0.000000e+00 : f32
      %broadcast_in_dim3A_148 = vector.broadcast %jit3A_147 : f32 to vector<16xf32>
      %select_n3A_149 = arith.select %ge3A_146, %get3A_137, %broadcast_in_dim3A_148 : vector<16xi1>, vector<16xf32>
      %add3A_150 = arith.constant 0 : i32
      %add3A_151 = arith.addi %add3A_150, %mul3A_27 : i32
      %add3A_152 = arith.constant 32 : i32
      %add3A_153 = arith.addi %add3A_151, %add3A_152 : i32
      %swap3A_154 = arith.index_cast %add3A_153 : i32 to index
      %swap3A_155 = tpu.vector_load %arg4[%swap3A_154] {strides = array<i32>} : memref<16384xf32, #tpu.memory_space<vmem>>, vector<16xf32>,
      %swap3A_156 = vector.shape_cast %swap3A_155 : vector<16xf32> to vector<16xf32>
      %swap3A_157 = vector.shape_cast %select_n3A_149 : vector<16xf32> to vector<16xf32>
      tpu.vector_store %arg4[%swap3A_154], %swap3A_157 {strides = array<i32>} : memref<16384xf32, #tpu.memory_space<vmem>>, vector<16xf32>,
      %add3A_158 = arith.constant 8192 : i32
      %add3A_159 = arith.addi %add3A_158, %mul3A_27 : i32
      %add3A_160 = arith.constant 32 : i32
      %add3A_161 = arith.addi %add3A_159, %add3A_160 : i32
      %get3A_162 = arith.index_cast %add3A_161 : i32 to index
      %get3A_163 = tpu.vector_load %arg4[%get3A_162] {strides = array<i32>} : memref<16384xf32, #tpu.memory_space<vmem>>, vector<16xf32>,
      %get3A_164 = vector.shape_cast %get3A_163 : vector<16xf32> to vector<16xf32>
      %add3A_165 = arith.constant 8192 : i32
      %add3A_166 = arith.addi %add3A_165, %mul3A_27 : i32
      %add3A_167 = arith.constant 32 : i32
      %add3A_168 = arith.addi %add3A_166, %add3A_167 : i32
      %get3A_169 = arith.index_cast %add3A_168 : i32 to index
      %get3A_170 = tpu.vector_load %arg5[%get3A_169] {strides = array<i32>} : memref<16384xi32, #tpu.memory_space<vmem>>, vector<16xi32>,
      %get3A_171 = vector.shape_cast %get3A_170 : vector<16xi32> to vector<16xi32>
      %ge3A_172 = vector.broadcast %scan3A_17#1 : i32 to vector<16xi32>
      %ge3A_173 = arith.cmpi sge, %get3A_171, %ge3A_172 : vector<16xi32>
      %jit3A_174 = arith.constant 0.000000e+00 : f32
      %broadcast_in_dim3A_175 = vector.broadcast %jit3A_174 : f32 to vector<16xf32>
      %select_n3A_176 = arith.select %ge3A_173, %get3A_164, %broadcast_in_dim3A_175 : vector<16xi1>, vector<16xf32>
      %add3A_177 = arith.constant 8192 : i32
      %add3A_178 = arith.addi %add3A_177, %mul3A_27 : i32
      %add3A_179 = arith.constant 32 : i32
      %add3A_180 = arith.addi %add3A_178, %add3A_179 : i32
      %swap3A_181 = arith.index_cast %add3A_180 : i32 to index
      %swap3A_182 = tpu.vector_load %arg4[%swap3A_181] {strides = array<i32>} : memref<16384xf32, #tpu.memory_space<vmem>>, vector<16xf32>,
      %swap3A_183 = vector.shape_cast %swap3A_182 : vector<16xf32> to vector<16xf32>
      %swap3A_184 = vector.shape_cast %select_n3A_176 : vector<16xf32> to vector<16xf32>
      tpu.vector_store %arg4[%swap3A_181], %swap3A_184 {strides = array<i32>} : memref<16384xf32, #tpu.memory_space<vmem>>, vector<16xf32>,
      %add3A_185 = arith.constant 0 : i32
      %add3A_186 = arith.addi %add3A_185, %mul3A_27 : i32
      %add3A_187 = arith.constant 48 : i32
      %add3A_188 = arith.addi %add3A_186, %add3A_187 : i32
      %get3A_189 = arith.index_cast %add3A_188 : i32 to index
      %get3A_190 = tpu.vector_load %arg4[%get3A_189] {strides = array<i32>} : memref<16384xf32, #tpu.memory_space<vmem>>, vector<16xf32>,
      %get3A_191 = vector.shape_cast %get3A_190 : vector<16xf32> to vector<16xf32>
      %add3A_192 = arith.constant 0 : i32
      %add3A_193 = arith.addi %add3A_192, %mul3A_27 : i32
      %add3A_194 = arith.constant 48 : i32
      %add3A_195 = arith.addi %add3A_193, %add3A_194 : i32
      %get3A_196 = arith.index_cast %add3A_195 : i32 to index
      %get3A_197 = tpu.vector_load %arg5[%get3A_196] {strides = array<i32>} : memref<16384xi32, #tpu.memory_space<vmem>>, vector<16xi32>,
      %get3A_198 = vector.shape_cast %get3A_197 : vector<16xi32> to vector<16xi32>
      %ge3A_199 = vector.broadcast %scan3A_17#0 : i32 to vector<16xi32>
      %ge3A_200 = arith.cmpi sge, %get3A_198, %ge3A_199 : vector<16xi32>
      %jit3A_201 = arith.constant 0.000000e+00 : f32
      %broadcast_in_dim3A_202 = vector.broadcast %jit3A_201 : f32 to vector<16xf32>
      %select_n3A_203 = arith.select %ge3A_200, %get3A_191, %broadcast_in_dim3A_202 : vector<16xi1>, vector<16xf32>
      %add3A_204 = arith.constant 0 : i32
      %add3A_205 = arith.addi %add3A_204, %mul3A_27 : i32
      %add3A_206 = arith.constant 48 : i32
      %add3A_207 = arith.addi %add3A_205, %add3A_206 : i32
      %swap3A_208 = arith.index_cast %add3A_207 : i32 to index
      %swap3A_209 = tpu.vector_load %arg4[%swap3A_208] {strides = array<i32>} : memref<16384xf32, #tpu.memory_space<vmem>>, vector<16xf32>,
      %swap3A_210 = vector.shape_cast %swap3A_209 : vector<16xf32> to vector<16xf32>
      %swap3A_211 = vector.shape_cast %select_n3A_203 : vector<16xf32> to vector<16xf32>
      tpu.vector_store %arg4[%swap3A_208], %swap3A_211 {strides = array<i32>} : memref<16384xf32, #tpu.memory_space<vmem>>, vector<16xf32>,
      %add3A_212 = arith.constant 8192 : i32
      %add3A_213 = arith.addi %add3A_212, %mul3A_27 : i32
      %add3A_214 = arith.constant 48 : i32
      %add3A_215 = arith.addi %add3A_213, %add3A_214 : i32
      %get3A_216 = arith.index_cast %add3A_215 : i32 to index
      %get3A_217 = tpu.vector_load %arg4[%get3A_216] {strides = array<i32>} : memref<16384xf32, #tpu.memory_space<vmem>>, vector<16xf32>,
      %get3A_218 = vector.shape_cast %get3A_217 : vector<16xf32> to vector<16xf32>
      %add3A_219 = arith.constant 8192 : i32
      %add3A_220 = arith.addi %add3A_219, %mul3A_27 : i32
      %add3A_221 = arith.constant 48 : i32
      %add3A_222 = arith.addi %add3A_220, %add3A_221 : i32
      %get3A_223 = arith.index_cast %add3A_222 : i32 to index
      %get3A_224 = tpu.vector_load %arg5[%get3A_223] {strides = array<i32>} : memref<16384xi32, #tpu.memory_space<vmem>>, vector<16xi32>,
      %get3A_225 = vector.shape_cast %get3A_224 : vector<16xi32> to vector<16xi32>
      %ge3A_226 = vector.broadcast %scan3A_17#1 : i32 to vector<16xi32>
      %ge3A_227 = arith.cmpi sge, %get3A_225, %ge3A_226 : vector<16xi32>
      %jit3A_228 = arith.constant 0.000000e+00 : f32
      %broadcast_in_dim3A_229 = vector.broadcast %jit3A_228 : f32 to vector<16xf32>
      %select_n3A_230 = arith.select %ge3A_227, %get3A_218, %broadcast_in_dim3A_229 : vector<16xi1>, vector<16xf32>
      %add3A_231 = arith.constant 8192 : i32
      %add3A_232 = arith.addi %add3A_231, %mul3A_27 : i32
      %add3A_233 = arith.constant 48 : i32
      %add3A_234 = arith.addi %add3A_232, %add3A_233 : i32
      %swap3A_235 = arith.index_cast %add3A_234 : i32 to index
      %swap3A_236 = tpu.vector_load %arg4[%swap3A_235] {strides = array<i32>} : memref<16384xf32, #tpu.memory_space<vmem>>, vector<16xf32>,
      %swap3A_237 = vector.shape_cast %swap3A_236 : vector<16xf32> to vector<16xf32>
      %swap3A_238 = vector.shape_cast %select_n3A_230 : vector<16xf32> to vector<16xf32>
      tpu.vector_store %arg4[%swap3A_235], %swap3A_238 {strides = array<i32>} : memref<16384xf32, #tpu.memory_space<vmem>>, vector<16xf32>,
      %add3A_239 = arith.constant 0 : i32
      %add3A_240 = arith.addi %add3A_239, %mul3A_27 : i32
      %add3A_241 = arith.constant 64 : i32
      %add3A_242 = arith.addi %add3A_240, %add3A_241 : i32
      %get3A_243 = arith.index_cast %add3A_242 : i32 to index
      %get3A_244 = tpu.vector_load %arg4[%get3A_243] {strides = array<i32>} : memref<16384xf32, #tpu.memory_space<vmem>>, vector<16xf32>,
      %get3A_245 = vector.shape_cast %get3A_244 : vector<16xf32> to vector<16xf32>
      %add3A_246 = arith.constant 0 : i32
      %add3A_247 = arith.addi %add3A_246, %mul3A_27 : i32
      %add3A_248 = arith.constant 64 : i32
      %add3A_249 = arith.addi %add3A_247, %add3A_248 : i32
      %get3A_250 = arith.index_cast %add3A_249 : i32 to index
      %get3A_251 = tpu.vector_load %arg5[%get3A_250] {strides = array<i32>} : memref<16384xi32, #tpu.memory_space<vmem>>, vector<16xi32>,
      %get3A_252 = vector.shape_cast %get3A_251 : vector<16xi32> to vector<16xi32>
      %ge3A_253 = vector.broadcast %scan3A_17#0 : i32 to vector<16xi32>
      %ge3A_254 = arith.cmpi sge, %get3A_252, %ge3A_253 : vector<16xi32>
      %jit3A_255 = arith.constant 0.000000e+00 : f32
      %broadcast_in_dim3A_256 = vector.broadcast %jit3A_255 : f32 to vector<16xf32>
      %select_n3A_257 = arith.select %ge3A_254, %get3A_245, %broadcast_in_dim3A_256 : vector<16xi1>, vector<16xf32>
      %add3A_258 = arith.constant 0 : i32
      %add3A_259 = arith.addi %add3A_258, %mul3A_27 : i32
      %add3A_260 = arith.constant 64 : i32
      %add3A_261 = arith.addi %add3A_259, %add3A_260 : i32
      %swap3A_262 = arith.index_cast %add3A_261 : i32 to index
      %swap3A_263 = tpu.vector_load %arg4[%swap3A_262] {strides = array<i32>} : memref<16384xf32, #tpu.memory_space<vmem>>, vector<16xf32>,
      %swap3A_264 = vector.shape_cast %swap3A_263 : vector<16xf32> to vector<16xf32>
      %swap3A_265 = vector.shape_cast %select_n3A_257 : vector<16xf32> to vector<16xf32>
      tpu.vector_store %arg4[%swap3A_262], %swap3A_265 {strides = array<i32>} : memref<16384xf32, #tpu.memory_space<vmem>>, vector<16xf32>,
      %add3A_266 = arith.constant 8192 : i32
      %add3A_267 = arith.addi %add3A_266, %mul3A_27 : i32
      %add3A_268 = arith.constant 64 : i32
      %add3A_269 = arith.addi %add3A_267, %add3A_268 : i32
      %get3A_270 = arith.index_cast %add3A_269 : i32 to index
      %get3A_271 = tpu.vector_load %arg4[%get3A_270] {strides = array<i32>} : memref<16384xf32, #tpu.memory_space<vmem>>, vector<16xf32>,
      %get3A_272 = vector.shape_cast %get3A_271 : vector<16xf32> to vector<16xf32>
      %add3A_273 = arith.constant 8192 : i32
      %add3A_274 = arith.addi %add3A_273, %mul3A_27 : i32
      %add3A_275 = arith.constant 64 : i32
      %add3A_276 = arith.addi %add3A_274, %add3A_275 : i32
      %get3A_277 = arith.index_cast %add3A_276 : i32 to index
      %get3A_278 = tpu.vector_load %arg5[%get3A_277] {strides = array<i32>} : memref<16384xi32, #tpu.memory_space<vmem>>, vector<16xi32>,
      %get3A_279 = vector.shape_cast %get3A_278 : vector<16xi32> to vector<16xi32>
      %ge3A_280 = vector.broadcast %scan3A_17#1 : i32 to vector<16xi32>
      %ge3A_281 = arith.cmpi sge, %get3A_279, %ge3A_280 : vector<16xi32>
      %jit3A_282 = arith.constant 0.000000e+00 : f32
      %broadcast_in_dim3A_283 = vector.broadcast %jit3A_282 : f32 to vector<16xf32>
      %select_n3A_284 = arith.select %ge3A_281, %get3A_272, %broadcast_in_dim3A_283 : vector<16xi1>, vector<16xf32>
      %add3A_285 = arith.constant 8192 : i32
      %add3A_286 = arith.addi %add3A_285, %mul3A_27 : i32
      %add3A_287 = arith.constant 64 : i32
      %add3A_288 = arith.addi %add3A_286, %add3A_287 : i32
      %swap3A_289 = arith.index_cast %add3A_288 : i32 to index
      %swap3A_290 = tpu.vector_load %arg4[%swap3A_289] {strides = array<i32>} : memref<16384xf32, #tpu.memory_space<vmem>>, vector<16xf32>,
      %swap3A_291 = vector.shape_cast %swap3A_290 : vector<16xf32> to vector<16xf32>
      %swap3A_292 = vector.shape_cast %select_n3A_284 : vector<16xf32> to vector<16xf32>
      tpu.vector_store %arg4[%swap3A_289], %swap3A_292 {strides = array<i32>} : memref<16384xf32, #tpu.memory_space<vmem>>, vector<16xf32>,
      %add3A_293 = arith.constant 0 : i32
      %add3A_294 = arith.addi %add3A_293, %mul3A_27 : i32
      %add3A_295 = arith.constant 80 : i32
      %add3A_296 = arith.addi %add3A_294, %add3A_295 : i32
      %get3A_297 = arith.index_cast %add3A_296 : i32 to index
      %get3A_298 = tpu.vector_load %arg4[%get3A_297] {strides = array<i32>} : memref<16384xf32, #tpu.memory_space<vmem>>, vector<16xf32>,
      %get3A_299 = vector.shape_cast %get3A_298 : vector<16xf32> to vector<16xf32>
      %add3A_300 = arith.constant 0 : i32
      %add3A_301 = arith.addi %add3A_300, %mul3A_27 : i32
      %add3A_302 = arith.constant 80 : i32
      %add3A_303 = arith.addi %add3A_301, %add3A_302 : i32
      %get3A_304 = arith.index_cast %add3A_303 : i32 to index
      %get3A_305 = tpu.vector_load %arg5[%get3A_304] {strides = array<i32>} : memref<16384xi32, #tpu.memory_space<vmem>>, vector<16xi32>,
      %get3A_306 = vector.shape_cast %get3A_305 : vector<16xi32> to vector<16xi32>
      %ge3A_307 = vector.broadcast %scan3A_17#0 : i32 to vector<16xi32>
      %ge3A_308 = arith.cmpi sge, %get3A_306, %ge3A_307 : vector<16xi32>
      %jit3A_309 = arith.constant 0.000000e+00 : f32
      %broadcast_in_dim3A_310 = vector.broadcast %jit3A_309 : f32 to vector<16xf32>
      %select_n3A_311 = arith.select %ge3A_308, %get3A_299, %broadcast_in_dim3A_310 : vector<16xi1>, vector<16xf32>
      %add3A_312 = arith.constant 0 : i32
      %add3A_313 = arith.addi %add3A_312, %mul3A_27 : i32
      %add3A_314 = arith.constant 80 : i32
      %add3A_315 = arith.addi %add3A_313, %add3A_314 : i32
      %swap3A_316 = arith.index_cast %add3A_315 : i32 to index
      %swap3A_317 = tpu.vector_load %arg4[%swap3A_316] {strides = array<i32>} : memref<16384xf32, #tpu.memory_space<vmem>>, vector<16xf32>,
      %swap3A_318 = vector.shape_cast %swap3A_317 : vector<16xf32> to vector<16xf32>
      %swap3A_319 = vector.shape_cast %select_n3A_311 : vector<16xf32> to vector<16xf32>
      tpu.vector_store %arg4[%swap3A_316], %swap3A_319 {strides = array<i32>} : memref<16384xf32, #tpu.memory_space<vmem>>, vector<16xf32>,
      %add3A_320 = arith.constant 8192 : i32
      %add3A_321 = arith.addi %add3A_320, %mul3A_27 : i32
      %add3A_322 = arith.constant 80 : i32
      %add3A_323 = arith.addi %add3A_321, %add3A_322 : i32
      %get3A_324 = arith.index_cast %add3A_323 : i32 to index
      %get3A_325 = tpu.vector_load %arg4[%get3A_324] {strides = array<i32>} : memref<16384xf32, #tpu.memory_space<vmem>>, vector<16xf32>,
      %get3A_326 = vector.shape_cast %get3A_325 : vector<16xf32> to vector<16xf32>
      %add3A_327 = arith.constant 8192 : i32
      %add3A_328 = arith.addi %add3A_327, %mul3A_27 : i32
      %add3A_329 = arith.constant 80 : i32
      %add3A_330 = arith.addi %add3A_328, %add3A_329 : i32
      %get3A_331 = arith.index_cast %add3A_330 : i32 to index
      %get3A_332 = tpu.vector_load %arg5[%get3A_331] {strides = array<i32>} : memref<16384xi32, #tpu.memory_space<vmem>>, vector<16xi32>,
      %get3A_333 = vector.shape_cast %get3A_332 : vector<16xi32> to vector<16xi32>
      %ge3A_334 = vector.broadcast %scan3A_17#1 : i32 to vector<16xi32>
      %ge3A_335 = arith.cmpi sge, %get3A_333, %ge3A_334 : vector<16xi32>
      %jit3A_336 = arith.constant 0.000000e+00 : f32
      %broadcast_in_dim3A_337 = vector.broadcast %jit3A_336 : f32 to vector<16xf32>
      %select_n3A_338 = arith.select %ge3A_335, %get3A_326, %broadcast_in_dim3A_337 : vector<16xi1>, vector<16xf32>
      %add3A_339 = arith.constant 8192 : i32
      %add3A_340 = arith.addi %add3A_339, %mul3A_27 : i32
      %add3A_341 = arith.constant 80 : i32
      %add3A_342 = arith.addi %add3A_340, %add3A_341 : i32
      %swap3A_343 = arith.index_cast %add3A_342 : i32 to index
      %swap3A_344 = tpu.vector_load %arg4[%swap3A_343] {strides = array<i32>} : memref<16384xf32, #tpu.memory_space<vmem>>, vector<16xf32>,
      %swap3A_345 = vector.shape_cast %swap3A_344 : vector<16xf32> to vector<16xf32>
      %swap3A_346 = vector.shape_cast %select_n3A_338 : vector<16xf32> to vector<16xf32>
      tpu.vector_store %arg4[%swap3A_343], %swap3A_346 {strides = array<i32>} : memref<16384xf32, #tpu.memory_space<vmem>>, vector<16xf32>,
      %add3A_347 = arith.constant 0 : i32
      %add3A_348 = arith.addi %add3A_347, %mul3A_27 : i32
      %add3A_349 = arith.constant 96 : i32
      %add3A_350 = arith.addi %add3A_348, %add3A_349 : i32
      %get3A_351 = arith.index_cast %add3A_350 : i32 to index
      %get3A_352 = tpu.vector_load %arg4[%get3A_351] {strides = array<i32>} : memref<16384xf32, #tpu.memory_space<vmem>>, vector<16xf32>,
      %get3A_353 = vector.shape_cast %get3A_352 : vector<16xf32> to vector<16xf32>
      %add3A_354 = arith.constant 0 : i32
      %add3A_355 = arith.addi %add3A_354, %mul3A_27 : i32
      %add3A_356 = arith.constant 96 : i32
      %add3A_357 = arith.addi %add3A_355, %add3A_356 : i32
      %get3A_358 = arith.index_cast %add3A_357 : i32 to index
      %get3A_359 = tpu.vector_load %arg5[%get3A_358] {strides = array<i32>} : memref<16384xi32, #tpu.memory_space<vmem>>, vector<16xi32>,
      %get3A_360 = vector.shape_cast %get3A_359 : vector<16xi32> to vector<16xi32>
      %ge3A_361 = vector.broadcast %scan3A_17#0 : i32 to vector<16xi32>
      %ge3A_362 = arith.cmpi sge, %get3A_360, %ge3A_361 : vector<16xi32>
      %jit3A_363 = arith.constant 0.000000e+00 : f32
      %broadcast_in_dim3A_364 = vector.broadcast %jit3A_363 : f32 to vector<16xf32>
      %select_n3A_365 = arith.select %ge3A_362, %get3A_353, %broadcast_in_dim3A_364 : vector<16xi1>, vector<16xf32>
      %add3A_366 = arith.constant 0 : i32
      %add3A_367 = arith.addi %add3A_366, %mul3A_27 : i32
      %add3A_368 = arith.constant 96 : i32
      %add3A_369 = arith.addi %add3A_367, %add3A_368 : i32
      %swap3A_370 = arith.index_cast %add3A_369 : i32 to index
      %swap3A_371 = tpu.vector_load %arg4[%swap3A_370] {strides = array<i32>} : memref<16384xf32, #tpu.memory_space<vmem>>, vector<16xf32>,
      %swap3A_372 = vector.shape_cast %swap3A_371 : vector<16xf32> to vector<16xf32>
      %swap3A_373 = vector.shape_cast %select_n3A_365 : vector<16xf32> to vector<16xf32>
      tpu.vector_store %arg4[%swap3A_370], %swap3A_373 {strides = array<i32>} : memref<16384xf32, #tpu.memory_space<vmem>>, vector<16xf32>,
      %add3A_374 = arith.constant 8192 : i32
      %add3A_375 = arith.addi %add3A_374, %mul3A_27 : i32
      %add3A_376 = arith.constant 96 : i32
      %add3A_377 = arith.addi %add3A_375, %add3A_376 : i32
      %get3A_378 = arith.index_cast %add3A_377 : i32 to index
      %get3A_379 = tpu.vector_load %arg4[%get3A_378] {strides = array<i32>} : memref<16384xf32, #tpu.memory_space<vmem>>, vector<16xf32>,
      %get3A_380 = vector.shape_cast %get3A_379 : vector<16xf32> to vector<16xf32>
      %add3A_381 = arith.constant 8192 : i32
      %add3A_382 = arith.addi %add3A_381, %mul3A_27 : i32
      %add3A_383 = arith.constant 96 : i32
      %add3A_384 = arith.addi %add3A_382, %add3A_383 : i32
      %get3A_385 = arith.index_cast %add3A_384 : i32 to index
      %get3A_386 = tpu.vector_load %arg5[%get3A_385] {strides = array<i32>} : memref<16384xi32, #tpu.memory_space<vmem>>, vector<16xi32>,
      %get3A_387 = vector.shape_cast %get3A_386 : vector<16xi32> to vector<16xi32>
      %ge3A_388 = vector.broadcast %scan3A_17#1 : i32 to vector<16xi32>
      %ge3A_389 = arith.cmpi sge, %get3A_387, %ge3A_388 : vector<16xi32>
      %jit3A_390 = arith.constant 0.000000e+00 : f32
      %broadcast_in_dim3A_391 = vector.broadcast %jit3A_390 : f32 to vector<16xf32>
      %select_n3A_392 = arith.select %ge3A_389, %get3A_380, %broadcast_in_dim3A_391 : vector<16xi1>, vector<16xf32>
      %add3A_393 = arith.constant 8192 : i32
      %add3A_394 = arith.addi %add3A_393, %mul3A_27 : i32
      %add3A_395 = arith.constant 96 : i32
      %add3A_396 = arith.addi %add3A_394, %add3A_395 : i32
      %swap3A_397 = arith.index_cast %add3A_396 : i32 to index
      %swap3A_398 = tpu.vector_load %arg4[%swap3A_397] {strides = array<i32>} : memref<16384xf32, #tpu.memory_space<vmem>>, vector<16xf32>,
      %swap3A_399 = vector.shape_cast %swap3A_398 : vector<16xf32> to vector<16xf32>
      %swap3A_400 = vector.shape_cast %select_n3A_392 : vector<16xf32> to vector<16xf32>
      tpu.vector_store %arg4[%swap3A_397], %swap3A_400 {strides = array<i32>} : memref<16384xf32, #tpu.memory_space<vmem>>, vector<16xf32>,
      %add3A_401 = arith.constant 0 : i32
      %add3A_402 = arith.addi %add3A_401, %mul3A_27 : i32
      %add3A_403 = arith.constant 112 : i32
      %add3A_404 = arith.addi %add3A_402, %add3A_403 : i32
      %get3A_405 = arith.index_cast %add3A_404 : i32 to index
      %get3A_406 = tpu.vector_load %arg4[%get3A_405] {strides = array<i32>} : memref<16384xf32, #tpu.memory_space<vmem>>, vector<16xf32>,
      %get3A_407 = vector.shape_cast %get3A_406 : vector<16xf32> to vector<16xf32>
      %add3A_408 = arith.constant 0 : i32
      %add3A_409 = arith.addi %add3A_408, %mul3A_27 : i32
      %add3A_410 = arith.constant 112 : i32
      %add3A_411 = arith.addi %add3A_409, %add3A_410 : i32
      %get3A_412 = arith.index_cast %add3A_411 : i32 to index
      %get3A_413 = tpu.vector_load %arg5[%get3A_412] {strides = array<i32>} : memref<16384xi32, #tpu.memory_space<vmem>>, vector<16xi32>,
      %get3A_414 = vector.shape_cast %get3A_413 : vector<16xi32> to vector<16xi32>
      %ge3A_415 = vector.broadcast %scan3A_17#0 : i32 to vector<16xi32>
      %ge3A_416 = arith.cmpi sge, %get3A_414, %ge3A_415 : vector<16xi32>
      %jit3A_417 = arith.constant 0.000000e+00 : f32
      %broadcast_in_dim3A_418 = vector.broadcast %jit3A_417 : f32 to vector<16xf32>
      %select_n3A_419 = arith.select %ge3A_416, %get3A_407, %broadcast_in_dim3A_418 : vector<16xi1>, vector<16xf32>
      %add3A_420 = arith.constant 0 : i32
      %add3A_421 = arith.addi %add3A_420, %mul3A_27 : i32
      %add3A_422 = arith.constant 112 : i32
      %add3A_423 = arith.addi %add3A_421, %add3A_422 : i32
      %swap3A_424 = arith.index_cast %add3A_423 : i32 to index
      %swap3A_425 = tpu.vector_load %arg4[%swap3A_424] {strides = array<i32>} : memref<16384xf32, #tpu.memory_space<vmem>>, vector<16xf32>,
      %swap3A_426 = vector.shape_cast %swap3A_425 : vector<16xf32> to vector<16xf32>
      %swap3A_427 = vector.shape_cast %select_n3A_419 : vector<16xf32> to vector<16xf32>
      tpu.vector_store %arg4[%swap3A_424], %swap3A_427 {strides = array<i32>} : memref<16384xf32, #tpu.memory_space<vmem>>, vector<16xf32>,
      %add3A_428 = arith.constant 8192 : i32
      %add3A_429 = arith.addi %add3A_428, %mul3A_27 : i32
      %add3A_430 = arith.constant 112 : i32
      %add3A_431 = arith.addi %add3A_429, %add3A_430 : i32
      %get3A_432 = arith.index_cast %add3A_431 : i32 to index
      %get3A_433 = tpu.vector_load %arg4[%get3A_432] {strides = array<i32>} : memref<16384xf32, #tpu.memory_space<vmem>>, vector<16xf32>,
      %get3A_434 = vector.shape_cast %get3A_433 : vector<16xf32> to vector<16xf32>
      %add3A_435 = arith.constant 8192 : i32
      %add3A_436 = arith.addi %add3A_435, %mul3A_27 : i32
      %add3A_437 = arith.constant 112 : i32
      %add3A_438 = arith.addi %add3A_436, %add3A_437 : i32
      %get3A_439 = arith.index_cast %add3A_438 : i32 to index
      %get3A_440 = tpu.vector_load %arg5[%get3A_439] {strides = array<i32>} : memref<16384xi32, #tpu.memory_space<vmem>>, vector<16xi32>,
      %get3A_441 = vector.shape_cast %get3A_440 : vector<16xi32> to vector<16xi32>
      %ge3A_442 = vector.broadcast %scan3A_17#1 : i32 to vector<16xi32>
      %ge3A_443 = arith.cmpi sge, %get3A_441, %ge3A_442 : vector<16xi32>
      %jit3A_444 = arith.constant 0.000000e+00 : f32
      %broadcast_in_dim3A_445 = vector.broadcast %jit3A_444 : f32 to vector<16xf32>
      %select_n3A_446 = arith.select %ge3A_443, %get3A_434, %broadcast_in_dim3A_445 : vector<16xi1>, vector<16xf32>
      %add3A_447 = arith.constant 8192 : i32
      %add3A_448 = arith.addi %add3A_447, %mul3A_27 : i32
      %add3A_449 = arith.constant 112 : i32
      %add3A_450 = arith.addi %add3A_448, %add3A_449 : i32
      %swap3A_451 = arith.index_cast %add3A_450 : i32 to index
      %swap3A_452 = tpu.vector_load %arg4[%swap3A_451] {strides = array<i32>} : memref<16384xf32, #tpu.memory_space<vmem>>, vector<16xf32>,
      %swap3A_453 = vector.shape_cast %swap3A_452 : vector<16xf32> to vector<16xf32>
      %swap3A_454 = vector.shape_cast %select_n3A_446 : vector<16xf32> to vector<16xf32>
      tpu.vector_store %arg4[%swap3A_451], %swap3A_454 {strides = array<i32>} : memref<16384xf32, #tpu.memory_space<vmem>>, vector<16xf32>,
    }
    %scan3A_24 = arith.constant 64 : i32
    "tpu.region"() ({
      %run_scoped3A = tpu.sem_alloc : memref<!tpu.dma_semaphore, #tpu.memory_space<semaphore_mem>>
      %dma_start3A = tpu.memref_slice %arg3[%mul3A_3] : memref<524288xf32, #tpu.memory_space<hbm>> -> memref<16384xf32, #tpu.memory_space<hbm>>
      %dma_start3A_25 = tpu.memref_slice %arg3[%mul3A_3] : memref<524288xf32, #tpu.memory_space<hbm>> -> memref<16384xf32, #tpu.memory_space<hbm>>
      tpu.enqueue_dma source(%arg4 : memref<16384xf32, #tpu.memory_space<vmem>>) target(%dma_start3A_25 : memref<16384xf32, #tpu.memory_space<hbm>>) target_semaphore(%run_scoped3A : memref<!tpu.dma_semaphore, #tpu.memory_space<semaphore_mem>>)
      %dma_wait3A = tpu.memref_slice %arg3[%mul3A_3] : memref<524288xf32, #tpu.memory_space<hbm>> -> memref<16384xf32, #tpu.memory_space<hbm>>
      %dma_wait3A_26 = tpu.memref_slice %arg3[%mul3A_3] : memref<524288xf32, #tpu.memory_space<hbm>> -> memref<16384xf32, #tpu.memory_space<hbm>>
      tpu.wait_dma2 semaphore(%run_scoped3A : memref<!tpu.dma_semaphore, #tpu.memory_space<semaphore_mem>>) src(%arg4 : memref<16384xf32, #tpu.memory_space<vmem>>) dst(%dma_wait3A_26 : memref<16384xf32, #tpu.memory_space<hbm>>)
      tpu.yield
    }) : () -> ()
    return
  }
}

</mosaic_0001>

<sc_bundles>
// kernel: _kwta.3.cloned.1.call-start
scs
__scs_entry_jumppad:
0x0: {  	(pc) =	sbr.rel $0x88, $3  }
0x1: {  	(tag) =	ssettag $0x0;
	lr =	simm.s32 $0x1  }
0x2: {  	[smem:$0x3FA0] =	sst lr;
	_ =	strace $0xD0000000  }
0x3: {  	_ = 	snop  }
0x4: {  	_ = 	snop  }
0x5: {  	_ = 	snop  }
0x6: {  	_ = 	snop  }
0x7: {  	_ = 	snop  }
__scs_overlays_trampoline_lowered:
0x8: {  	[smem:$0x3FAF] =	sst s0  }
0x9: {  	[smem:$0x3FB0] =	sst s1  }
0xa: {  	[smem:$0x3FB1] =	sst s2  }
0xb: {  	[smem:$0x3FB2] =	sst s3  }
0xc: {  	[smem:$0x3FB3] =	sst s4  }
0xd: {  	[smem:$0x3FB4] =	sst s5  }
0xe: {  	[smem:$0x3FB5] =	sst s6  }
0xf: {  	[smem:$0x3FB6] =	sst s7  }
0x10: {  	[smem:$0x3FB7] =	sst s8  }
0x11: {  	[smem:$0x3FB8] =	sst s9;
	s0 =	simm.s32 @!p0 $0x0  }
0x12: {  	s1 =	sld [smem:$0x3F9E];
	s0 =	simm.s32 @p0 $0x1  }
0x13: {  	[smem:$0x3FB9] =	sst s0;
	s0 =	simm.s32 @!p1 $0x0  }
0x14: {  	s2 =	sld [smem:$0x3F9D];
	s0 =	simm.s32 @p1 $0x1  }
0x15: {  	[smem:$0x3FBA] =	sst s0;
	s0 =	simm.s32 @!p2 $0x0  }
0x16: {  	s3 =	sld [smem:$0x3FDB];
	s0 =	simm.s32 @p2 $0x1  }
0x17: {  	s4 =	simm.s32 $0x1BF5;
	[smem:$0x3FBC] =	sst s0  }
0x18: {  	s0 =	sld [smem:$0x3F9F];
	_ =	swait.ge [sflag:s4], $0x0  }
0x19: {  	s7 =	sld [smem:$0x3FA0]  }
0x1a: {  	s8 =	sadd.s32 $0xFFFFE003, lr  }
0x1b: {  	s9 =	sadd.s32 $0xFFFFFEF7, lr;
	s5 =	simm.s32 $0xFFFFFFFF;
	p2 =	slt.u32 s8, $0xFFFFF086  }
0x1c: {  	p1 =	slt.u32 s9, $0xF7A;
	s5 =	simm.s32 @!p2 $0x0  }
0x1d: {  	s5 =	simm.s32 @p1 $0x1;
	p0 =	seq.s32 s7, s2  }
0x1e: {  	s7 =	smul.u32 @!p0 $0xF7A, s2;
	p2 =	seq.s32 @!p0 s5, $0x0  }
0x1f: {  	s9 =	smul.u32 $0xF7A, s1;
	s8 =	simm.s32 @!p0 $0x1BF5;
	p2 =	por !p2, p0  }
0x20: {  	[sflag:s8] =	ssyncset.s32 @!p0 $0xFFFFF086;
	s6 =	sadd.s32 @!p0 s3, s7;
	s7 =	simm.s32 @!p0 $0x108  }
0x21: {  	s3 =	sadd.s32 s3, s9;
	s6 =	sadd.s32 @!p0 $0x88, s6;
	s7 =	simm.s32 @p2 $0x1082  }
0x22: {  	[simem:s7], [sflag:s8] =	dma.local @!p0 [hbm:s6], $0xF7A  }
0x23: {  	s9 =	sor.u32 $0xD0000000, s2;
	s6 =	simm.s32 $0x108;
	_ =	swait.ge @!p0 [sflag:s8], $0x0  }
0x24: {  	s3 =	sadd.s32 $0x88, s3;
	s6 =	simm.s32 @!p1 $0x1082;
	[sflag:s4] =	ssyncset.s32 $0xFFFFF086  }
0x25: {  	[simem:s6], [sflag:s4] =	dma.local [hbm:s3], $0xF7A  }
0x26: {  	[smem:$0x3FA0] =	sst s1;
	(tag) =	ssettag s2;
	_ =	strace s9  }
0x27: {  	s1 =	sld [smem:$0x3FB0]  }
0x28: {  	s2 =	sld [smem:$0x3FB1]  }
0x29: {  	s4 =	sld [smem:$0x3FB3]  }
0x2a: {  	p0 =	seq.s32 s5, $0x0;
	s5 =	sld [smem:$0x3FB4]  }
0x2b: {  	s6 =	sld [smem:$0x3FB5]  }
0x2c: {  	s7 =	sld [smem:$0x3FB6]  }
0x2d: {  	s3 =	simm.s32 $0x108;
	s8 =	sld [smem:$0x3FB7]  }
0x2e: {  	s3 =	simm.s32 @!p0 $0x1082;
	s9 =	sld [smem:$0x3FB8]  }
0x2f: {  	lr =	sadd.s32 s0, s3;
	s0 =	sld [smem:$0x3FAF]  }
0x30: {  	s3 =	sld [smem:$0x3FB2]  }
0x31: {  	[smem:$0x3FBB] =	sst s10  }
0x32: {  	s10 =	sld [smem:$0x3FB9];
	_ =	sdelay $0x3  }
0x33: {  	p0 =	seq.s32 s10, $0x1;
	s10 =	sld [smem:$0x3FBB];
	_ =	sdelay $0x3  }
0x34: {  	[smem:$0x3FBB] =	sst s10  }
0x35: {  	s10 =	sld [smem:$0x3FBA];
	_ =	sdelay $0x3  }
0x36: {  	p1 =	seq.s32 s10, $0x1;
	s10 =	sld [smem:$0x3FBB];
	_ =	sdelay $0x3  }
0x37: {  	[smem:$0x3FBB] =	sst s10  }
0x38: {  	s10 =	sld [smem:$0x3FBC]  }
0x39: {  	_ = 	snop;
	(pc) =	sbr.ind lr, $3  }
0x3a: {  	_ = 	snop  }
0x3b: {  	_ = 	snop  }
0x3c: {  	p2 =	seq.s32 s10, $0x1;
	s10 =	sld [smem:$0x3FBB]  }
0x3d: {  	_ =	shalt  }
0x3e: {  	_ =	shalt  }
0x3f: {  	_ =	shalt  }
0x40: {  	_ =	shalt  }
0x41: {  	_ =	shalt  }
0x42: {  	_ =	shalt  }
0x43: {  	_ =	shalt  }
0x44: {  	_ =	shalt  }
0x45: {  	_ =	shalt  }
0x46: {  	_ =	shalt  }
0x47: {  	_ =	shalt  }
0x48: {  	_ =	shalt  }
0x49: {  	_ =	shalt  }
0x4a: {  	_ =	shalt  }
0x4b: {  	_ =	shalt  }
0x4c: {  	_ =	shalt  }
0x4d: {  	_ =	shalt  }
0x4e: {  	_ =	shalt  }
0x4f: {  	_ =	shalt  }
0x50: {  	_ =	shalt  }
0x51: {  	_ =	shalt  }
0x52: {  	_ =	shalt  }
0x53: {  	_ =	shalt  }
0x54: {  	_ =	shalt  }
0x55: {  	_ =	shalt  }
0x56: {  	_ =	shalt  }
0x57: {  	_ =	shalt  }
0x58: {  	_ =	shalt  }
0x59: {  	_ =	shalt  }
0x5a: {  	_ =	shalt  }
0x5b: {  	_ =	shalt  }
0x5c: {  	_ =	shalt  }
0x5d: {  	_ =	shalt  }
0x5e: {  	_ =	shalt  }
0x5f: {  	_ =	shalt  }
0x60: {  	_ =	shalt  }
0x61: {  	_ =	shalt  }
0x62: {  	_ =	shalt  }
0x63: {  	_ =	shalt  }
0x64: {  	_ =	shalt  }
0x65: {  	_ =	shalt  }
0x66: {  	_ =	shalt  }
0x67: {  	_ =	shalt  }
0x68: {  	_ =	shalt  }
0x69: {  	_ =	shalt  }
0x6a: {  	_ =	shalt  }
0x6b: {  	_ =	shalt  }
0x6c: {  	_ =	shalt  }
0x6d: {  	_ =	shalt  }
0x6e: {  	_ =	shalt  }
0x6f: {  	_ =	shalt  }
0x70: {  	_ =	shalt  }
0x71: {  	_ =	shalt  }
0x72: {  	_ =	shalt  }
0x73: {  	_ =	shalt  }
0x74: {  	_ =	shalt  }
0x75: {  	_ =	shalt  }
0x76: {  	_ =	shalt  }
0x77: {  	_ =	shalt  }
0x78: {  	_ =	shalt  }
0x79: {  	_ =	shalt  }
0x7a: {  	_ =	shalt  }
0x7b: {  	_ =	shalt  }
0x7c: {  	_ =	shalt  }
0x7d: {  	_ =	shalt  }
0x7e: {  	_ =	shalt  }
0x7f: {  	_ =	shalt  }
0x80: {  	_ =	shalt  }
0x81: {  	_ =	shalt  }
0x82: {  	_ =	shalt  }
0x83: {  	_ =	shalt  }
0x84: {  	_ =	shalt  }
0x85: {  	_ =	shalt  }
0x86: {  	_ =	shalt  }
0x87: {  	_ =	shalt  }
.Lfunc_end0:
.L_simem_size_0:
called_computation_lowered:
.L_overlay_start_0:
0x88: {  	s2 =	sld [smem:$0x3FD9]  }
0x89: {  	s3 =	sld [smem:$0x3FFE];
	_ =	sdelay $0x1  }
0x8a: {  	s1 =	srdreg.scid  }
0x8b: {  	s0 =	sand.u32 $0x1, s1  }
0x8c: {  	s18 =	sshll.u32 s0, $0xA;
	s2 =	sadd.s32 s3, s2  }
0x8d: {  	s2 =	sadd.s32 s2, s18  }
0x8e: {  	[smem:$0x3FC7] =	sst s2  }
0x8f: {  	_ = 	snop  }
0x90: {  	s2 =	sld [smem:$0x3FC9]  }
0x91: {  	s19 =	sld [smem:$0x3FD0];
	(tm) =	ssettm $0x1  }
0x92: {  	s4 =	sld [smem:$0x3FFB];
	_ =	sdelay $0x3  }
0x93: {  	_ =	strace s4  }
0x94: {  	s4 =	sld [smem:$0x3FFC];
	_ =	sdelay $0x3  }
0x95: {  	_ =	strace s4  }
0x96: {  	s4 =	sld [smem:$0x3FFD];
	_ =	sdelay $0x3  }
0x97: {  	_ =	strace s4  }
0x98: {  	_ =	strace $0x8FFFFFFF  }
0x99: {  	s20 =	sld [smem:$0x3FDB];
	_ =	sdelay $0x1  }
0x9a: {  	s5 =	simm.s32 $_scs_section_size  }
0x9b: {  	s6 =	simm.s32 $_size__tile_overlayer_lowered;
	s7 =	simm.s32 $_tile_overlayer_lowered  }
0x9c: {  	s23 =	simm.s32 $0x1BFF;
	s22 =	sshll.u32 s7, $0x1;
	s4 =	sadd.s32 s5, s20  }
0x9d: {  	s8 =	simm.s32 $0x0;
	s21 =	sshll.u32 s6, $0x1;
	s6 =	sadd.s32 s22, s4  }
0x9e: {  	[timem:s8], [sflag:s23] =	dma.local [hbm:s6], s21  }
0x9f: {  	_ =	swait.ge [sflag:s23], s21  }
0xa0: {  	s5 =	ssub.s32 $0x0, s21;
	[sflag:s23] =	ssyncset.done $0x0  }
0xa1: {  	[sflag:s23] =	ssyncadd.s32 s5;
	_ =	sdelay $0x1  }
0xa2: {  	s24 =	simm.s32 $0x1B8B  }
0xa3: {  	_ =	swait.ge [sflag:s24], $0x1  }
0xa4: {  	[sflag:s24] =	ssyncset.done $0x0  }
0xa5: {  	s25 =	simm.s32 $0x1B8E;
	[sflag:s24] =	ssyncadd.s32 $0xFFFFFFFF  }
0xa6: {  	s26 =	simm.s32 $execute0_lowered;
	[smem:$0x3FD2] =	sst s25  }
0xa7: {  	s5 =	sshll.u32 s26, $0x1;
	_ =	strace $0x80000046;
	[dreg:$0x1] =	wrdreg $0xFFFFFFFF  }
0xa8: {  	s28 =	simm.s32 $_size_execute0_lowered;
	s4 =	sadd.s32 s4, s5;
	[dreg:$0x0] =	wrdreg $0x0  }
0xa9: {  	s5 =	sshll.u32 s28, $0x1;
	[dreg:$0x2] =	wrdreg s4  }
0xaa: {  	[dreg:$0x3] =	wrdreg s5  }
0xab: {  	[dreg:$0x4] =	wrdreg $0xC0  }
0xac: {  	_ =	task [dreg:s8], $0x5FFFF  }
0xad: {  	[dreg:$0x1] =	wrdreg $0xFFFFFFFF  }
0xae: {  	[dreg:$0x0] =	wrdreg $0x60  }
0xaf: {  	[dreg:$0x2] =	wrdreg s2  }
0xb0: {  	[dreg:$0x3] =	wrdreg s19  }
0xb1: {  	[dreg:$0x4] =	wrdreg $0x9  }
0xb2: {  	_ =	task.clear_ibuf [dreg:s8], $0x5FFFF;
	_ =	strace $0x90000046  }
0xb3: {  	s29 =	simm.s32 $0x9;
	_ =	strace $0x80000048  }
0xb4: {  	_ =	swait.ge [sflag:s29], $0x1  }
0xb5: {  	[sflag:s29] =	ssyncadd.s32 $0xFFFFFFFF  }
0xb6: {  	_ =	strace $0x90000048  }
0xb7: {  	_ =	sfence  }
0xb8: {  	s30 =	sld [smem:$0x0];
	_ =	sdelay $0x2  }
0xb9: {  	s31 =	sshll.u32 s1, $0xD;
	s1 =	sshrl.u32 s1, $0x2  }
0xba: {  	s3 =	sand.u32 $0x4000, s31;
	s1 =	sadd.s32 s1, s30  }
0xbb: {  	s0 =	sor.u32 s3, s0;
	s1 =	sshll.u32 s1, $0x11  }
0xbc: {  	s0 =	sor.u32 s1, s0  }
0xbd: {  	s0 =	sadd.s32 $0x8F2B, s0  }
0xbe: {  	[sflag:s0] =	ssyncadd.remote.s32 $0x1  }
0xbf: {  	_ =	sfence.sel $0xFFFF  }
0xc0: {  	[dreg:$0x0] =	wrdreg $0xFFFFFFFF;
	(pc) =	sbr.abs _section_cstart, $3  }
0xc1: {  	[dreg:$0x1] =	wrdreg $0xFFFFFFFF  }
0xc2: {  	_ =	task.clear_ibuf [dreg:s8], $0x2FFFF;
	_ =	strace $0x9FFFFFFF  }
0xc3: {  	(tm) =	ssettm $0x7FFFFFFF  }
tec
execute0_lowered:
.L_overlay_start_1:
0x0: {  	(tag) =	ssettag $0x1  }
0x1: {  	s3 =	rddreg [dreg:$0x0]  }
0x2: {  	s4 =	rddreg [dreg:$0x1]  }
0x3: {  	s1 =	srdreg.scid;
	s2 =	simm.s32 $0x0;
	s0 =	stileid.u32  }
0x4: {  	s5 =	sand.u32 $0x1, s1;
	[smem:$0x7FF] =	sst s2;
	s8 =	sshll.u32 s0, $0xC  }
0x5: {  	s6 =	ssub.s32 $0x2, s5;
	s5 =	sshll.u32 s5, $0xB;
	_ =	strace $0x80000047  }
0x6: {  	s7 =	sshrl.u32 s6, $0x1;
	s5 =	sor.u32 s5, s8;
	s8 =	simm.s32 $0x0  }
0x7: {  	s6 =	ssub.s32 s6, s7;
	s3 =	sadd.s32 s3, s5;
	s4 =	sadd.s32 s4, s5  }
0x8: {  	v0 =	vimm.s32 $0x0;
	s7 =	simm.s32 $0x80000000;
	s5 =	smax.u32 s6, $0x1;
	s6 =	simm.s32 $0x1  }
.LBB2_1:
0x9: {  	p1 =	por $0x0, $0x0  }
.Ltmp0:
0xa: {  	_ = 	snop;
	(pc) =	sbr.rel @p1 .LBB2_2-.Ltmp0, $4  }
0xb: {  	[tilespmem:s2], [sflag:$0x1] =	stream.linear.gather [hbm4b:s3+s2], $0x4000, $0x38;
	[tilespmem:$0x8000] =	vst v63  }
0xc: {  	_ =	swait.ge [sflag:s6], $0x4000  }
0xd: {  	[sflag:s6] =	ssyncset.done $0x0  }
0xe: {  	s9 =	simm.s32 $0x0;
	p0 =	por $0x0, $0x0;
	[sflag:s6] =	ssyncadd.s32 $0xFFFFC000  }
0xf: {  	v1 =	vld [tilespmem:s9+$0xF0]  }
0x10: {  	v2 =	vld [tilespmem:s9+$0x0]  }
0x11: {  	v3 =	vld [tilespmem:s9+$0x10]  }
0x12: {  	v4 =	vld [tilespmem:s9+$0x20]  }
0x13: {  	v5 =	vld [tilespmem:s9+$0x30]  }
0x14: {  	v6 =	vld [tilespmem:s9+$0x40];
	v7 =	vxor.u32 $0x7FFFFFFF, v1;
	vm0 =	vlt.s32 v1, $0x0  }
0x15: {  	v8 =	vld [tilespmem:s9+$0x50];
	v9 =	vxor.u32 $0x7FFFFFFF, v2;
	vm1 =	vlt.s32 v2, $0x0;
	v1 =	vsel vm0, v7, v1  }
0x16: {  	v7 =	vld [tilespmem:s9+$0x60];
	v2 =	vsel vm1, v9, v2;
	vm0 =	vlt.s32 v3, $0x0;
	[tilespmem:s9+$0x40F0] =	vst v1;
	v1 =	vxor.u32 $0x7FFFFFFF, v3  }
0x17: {  	v9 =	vld [tilespmem:s9+$0x70];
	[tilespmem:s9+$0x4000] =	vst v2;
	v2 =	vxor.u32 $0x7FFFFFFF, v4;
	v1 =	vsel vm0, v1, v3;
	vm0 =	vlt.s32 v4, $0x0  }
0x18: {  	v10 =	vld [tilespmem:s9+$0x80];
	[tilespmem:s9+$0x4010] =	vst v1;
	v1 =	vsel vm0, v2, v4;
	v2 =	vxor.u32 $0x7FFFFFFF, v5;
	vm0 =	vlt.s32 v5, $0x0  }
0x19: {  	p1 =	por $0x0, $0x0;
	v3 =	vxor.u32 $0x7FFFFFFF, v6;
	[tilespmem:s9+$0x4020] =	vst v1;
	v2 =	vsel vm0, v2, v5;
	v1 =	vld [tilespmem:s9+$0x90];
	vm0 =	vlt.s32 v6, $0x0  }
.Ltmp1:
0x1a: {  	v4 =	vxor.u32 $0x7FFFFFFF, v8;
	[tilespmem:s9+$0x4030] =	vst v2;
	v3 =	vsel vm0, v3, v6;
	v2 =	vld [tilespmem:s9+$0xA0];
	vm0 =	vlt.s32 v8, $0x0;
	(pc) =	sbr.rel @p1 .LBB2_5-.Ltmp1, $4  }
0x1b: {  	v5 =	vxor.u32 $0x7FFFFFFF, v7;
	[tilespmem:s9+$0x4040] =	vst v3;
	v4 =	vsel vm0, v4, v8;
	v3 =	vld [tilespmem:s9+$0xB0];
	vm0 =	vlt.s32 v7, $0x0  }
0x1c: {  	v6 =	vxor.u32 $0x7FFFFFFF, v9;
	[tilespmem:s9+$0x4050] =	vst v4;
	v5 =	vsel vm0, v5, v7;
	v4 =	vld [tilespmem:s9+$0xC0];
	vm0 =	vlt.s32 v9, $0x0  }
0x1d: {  	v7 =	vxor.u32 $0x7FFFFFFF, v10;
	[tilespmem:s9+$0x4060] =	vst v5;
	v6 =	vsel vm0, v6, v9;
	v5 =	vld [tilespmem:s9+$0xD0];
	vm0 =	vlt.s32 v10, $0x0  }
0x1e: {  	s11 =	simm.s32 $0x100;
	s10 =	simm.s32 $0x800;
	p0 =	por $0x1, $0x1;
	[tilespmem:s9+$0x4070] =	vst v6;
	v7 =	vsel vm0, v7, v10;
	v8 =	vxor.u32 $0x7FFFFFFF, v1;
	vm0 =	vlt.s32 v1, $0x0;
	v6 =	vld [tilespmem:s9+$0xE0]  }
.LBB2_4:
0x1f: {  	p1 =	seq.s32 s10, $0xFC00;
	v9 =	vld [tilespmem:s11+$0xF0];
	[tilespmem:s9+$0x4080] =	vst v7;
	v1 =	vsel vm0, v8, v1;
	v7 =	vxor.u32 $0x7FFFFFFF, v2;
	vm0 =	vlt.s32 v2, $0x0  }
0x20: {  	v8 =	vld [tilespmem:s11+$0x0];
	[tilespmem:s9+$0x4090] =	vst v1;
	v1 =	vsel vm0, v7, v2;
	v2 =	vxor.u32 $0x7FFFFFFF, v3;
	vm0 =	vlt.s32 v3, $0x0  }
0x21: {  	v7 =	vld [tilespmem:s11+$0x10];
	[tilespmem:s9+$0x40A0] =	vst v1;
	v1 =	vsel vm0, v2, v3;
	v2 =	vxor.u32 $0x7FFFFFFF, v4;
	vm0 =	vlt.s32 v4, $0x0  }
0x22: {  	v3 =	vld [tilespmem:s11+$0x20];
	[tilespmem:s9+$0x40B0] =	vst v1;
	v1 =	vsel vm0, v2, v4;
	v2 =	vxor.u32 $0x7FFFFFFF, v5;
	vm0 =	vlt.s32 v5, $0x0  }
0x23: {  	v4 =	vld [tilespmem:s11+$0x30];
	[tilespmem:s9+$0x40C0] =	vst v1;
	v1 =	vsel vm0, v2, v5;
	v2 =	vxor.u32 $0x7FFFFFFF, v6;
	vm0 =	vlt.s32 v6, $0x0  }
0x24: {  	v5 =	vld [tilespmem:s11+$0x40];
	v10 =	vxor.u32 $0x7FFFFFFF, v9;
	vm1 =	vlt.s32 v9, $0x0;
	[tilespmem:s9+$0x40D0] =	vst v1;
	v1 =	vsel vm0, v2, v6  }
0x25: {  	v2 =	vxor.u32 $0x7FFFFFFF, v8;
	vm0 =	vlt.s32 v8, $0x0;
	v6 =	vld [tilespmem:s11+$0x50];
	v9 =	vsel vm1, v10, v9;
	[tilespmem:s9+$0x40E0] =	vst v1;
	s9 =	smov.u32 s11  }
0x26: {  	v1 =	vsel vm0, v2, v8;
	v2 =	vxor.u32 $0x7FFFFFFF, v7;
	vm0 =	vlt.s32 v7, $0x0;
	v8 =	vld [tilespmem:s9+$0x60];
	[tilespmem:s9+$0x40F0] =	vst v9  }
0x27: {  	[tilespmem:s9+$0x4000] =	vst v1;
	v1 =	vsel vm0, v2, v7;
	v2 =	vxor.u32 $0x7FFFFFFF, v3;
	vm0 =	vlt.s32 v3, $0x0;
	v7 =	vld [tilespmem:s9+$0x70]  }
0x28: {  	[tilespmem:s9+$0x4010] =	vst v1;
	v1 =	vsel vm0, v2, v3;
	v2 =	vxor.u32 $0x7FFFFFFF, v4;
	vm0 =	vlt.s32 v4, $0x0;
	v9 =	vld [tilespmem:s9+$0x80]  }
0x29: {  	[tilespmem:s9+$0x4020] =	vst v1;
	v2 =	vsel vm0, v2, v4;
	v3 =	vxor.u32 $0x7FFFFFFF, v5;
	vm0 =	vlt.s32 v5, $0x0;
	v1 =	vld [tilespmem:s9+$0x90]  }
.Ltmp2:
0x2a: {  	[tilespmem:s9+$0x4030] =	vst v2;
	v3 =	vsel vm0, v3, v5;
	v4 =	vxor.u32 $0x7FFFFFFF, v6;
	vm0 =	vlt.s32 v6, $0x0;
	v2 =	vld [tilespmem:s9+$0xA0];
	(pc) =	sbr.rel @!p1 .LBB2_4-.Ltmp2, $4  }
0x2b: {  	[tilespmem:s9+$0x4040] =	vst v3;
	v4 =	vsel vm0, v4, v6;
	v5 =	vxor.u32 $0x7FFFFFFF, v8;
	vm0 =	vlt.s32 v8, $0x0;
	v3 =	vld [tilespmem:s9+$0xB0]  }
0x2c: {  	[tilespmem:s9+$0x4050] =	vst v4;
	v5 =	vsel vm0, v5, v8;
	v6 =	vxor.u32 $0x7FFFFFFF, v7;
	vm0 =	vlt.s32 v7, $0x0;
	v4 =	vld [tilespmem:s9+$0xC0]  }
0x2d: {  	[tilespmem:s9+$0x4060] =	vst v5;
	v6 =	vsel vm0, v6, v7;
	v7 =	vxor.u32 $0x7FFFFFFF, v9;
	vm0 =	vlt.s32 v9, $0x0;
	v5 =	vld [tilespmem:s9+$0xD0]  }
0x2e: {  	s11 =	sshra.s32 s10, $0x2;
	s10 =	sadd.s32 $0x400, s10;
	[tilespmem:s9+$0x4070] =	vst v6;
	v7 =	vsel vm0, v7, v9;
	v8 =	vxor.u32 $0x7FFFFFFF, v1;
	vm0 =	vlt.s32 v1, $0x0;
	v6 =	vld [tilespmem:s9+$0xE0]  }
.LBB2_5:
0x2f: {  	v9 =	vld [tilespmem:s11+$0xF0];
	[tilespmem:s9+$0x4080] =	vst @p0 v7;
	v1 =	vsel @p0 vm0, v8, v1;
	v8 =	vxor.u32 @p0 $0x7FFFFFFF, v2;
	vm0 =	vlt.s32 @p0 v2, $0x0  }
0x30: {  	v7 =	vld [tilespmem:s11+$0x0];
	[tilespmem:s9+$0x4090] =	vst @p0 v1;
	v1 =	vsel @p0 vm0, v8, v2;
	v8 =	vxor.u32 @p0 $0x7FFFFFFF, v3;
	vm0 =	vlt.s32 @p0 v3, $0x0  }
0x31: {  	v2 =	vld [tilespmem:s11+$0x10];
	[tilespmem:s9+$0x40A0] =	vst @p0 v1;
	v1 =	vsel @p0 vm0, v8, v3;
	v8 =	vxor.u32 @p0 $0x7FFFFFFF, v4;
	vm0 =	vlt.s32 @p0 v4, $0x0  }
0x32: {  	v3 =	vld [tilespmem:s11+$0x20];
	[tilespmem:s9+$0x40B0] =	vst @p0 v1;
	v1 =	vsel @p0 vm0, v8, v4;
	v8 =	vxor.u32 @p0 $0x7FFFFFFF, v5;
	vm0 =	vlt.s32 @p0 v5, $0x0  }
0x33: {  	v46 =	vld [tilespmem:s11+$0x30];
	[tilespmem:s9+$0x40C0] =	vst @p0 v1;
	v1 =	vsel @p0 vm0, v8, v5;
	v8 =	vxor.u32 @p0 $0x7FFFFFFF, v6;
	vm0 =	vlt.s32 @p0 v6, $0x0  }
0x34: {  	v47 =	vld [tilespmem:s11+$0x40];
	[tilespmem:s9+$0x40D0] =	vst @p0 v1;
	v1 =	vsel @p0 vm0, v8, v6;
	v49 =	vxor.u32 $0x7FFFFFFF, v9;
	vm13 =	vlt.s32 v9, $0x0  }
0x35: {  	v48 =	vld [tilespmem:s11+$0x50];
	[tilespmem:s9+$0x40E0] =	vst @p0 v1;
	v1 =	vxor.u32 $0x7FFFFFFF, v7;
	vm1 =	vlt.s32 v7, $0x0;
	v8 =	vsel vm13, v49, v9  }
0x36: {  	v50 =	vld [tilespmem:s11+$0x60];
	v1 =	vsel vm1, v1, v7;
	[tilespmem:s11+$0x40F0] =	vst v8;
	v51 =	vxor.u32 $0x7FFFFFFF, v2;
	vm14 =	vlt.s32 v2, $0x0  }
0x37: {  	[tilespmem:s11+$0x4000] =	vst v1;
	v1 =	vsel vm14, v51, v2;
	v2 =	vld [tilespmem:s11+$0x70];
	v52 =	vxor.u32 $0x7FFFFFFF, v3;
	vm15 =	vlt.s32 v3, $0x0  }
0x38: {  	[tilespmem:s11+$0x4010] =	vst v1;
	v1 =	vsel vm15, v52, v3;
	v3 =	vld [tilespmem:s11+$0x80];
	v53 =	vxor.u32 $0x7FFFFFFF, v46;
	vm4 =	vlt.s32 v46, $0x0  }
0x39: {  	v54 =	vld [tilespmem:s11+$0x90];
	[tilespmem:s11+$0x4020] =	vst v1;
	v1 =	vsel vm4, v53, v46;
	v55 =	vxor.u32 $0x7FFFFFFF, v47;
	vm5 =	vlt.s32 v47, $0x0  }
0x3a: {  	v56 =	vld [tilespmem:s11+$0xA0];
	[tilespmem:s11+$0x4030] =	vst v1;
	v1 =	vsel vm5, v55, v47;
	v57 =	vxor.u32 $0x7FFFFFFF, v48;
	vm6 =	vlt.s32 v48, $0x0  }
0x3b: {  	v58 =	vld [tilespmem:s11+$0xB0];
	[tilespmem:s11+$0x4040] =	vst v1;
	v1 =	vsel vm6, v57, v48;
	v59 =	vxor.u32 $0x7FFFFFFF, v50;
	vm7 =	vlt.s32 v50, $0x0  }
0x3c: {  	v60 =	vld [tilespmem:s11+$0xC0];
	[tilespmem:s11+$0x4050] =	vst v1;
	v1 =	vsel vm7, v59, v50;
	v61 =	vxor.u32 $0x7FFFFFFF, v2;
	vm8 =	vlt.s32 v2, $0x0  }
0x3d: {  	[tilespmem:s11+$0x4060] =	vst v1;
	v1 =	vsel vm8, v61, v2;
	v2 =	vld [tilespmem:s11+$0xD0];
	v62 =	vxor.u32 $0x7FFFFFFF, v3;
	vm9 =	vlt.s32 v3, $0x0  }
0x3e: {  	v63 =	vld [tilespmem:s11+$0xE0];
	vm10 =	vlt.s32 v54, $0x0;
	[tilespmem:s11+$0x4070] =	vst v1;
	v1 =	vsel vm9, v62, v3;
	v3 =	vxor.u32 $0x7FFFFFFF, v54  }
0x3f: {  	vm11 =	vlt.s32 v56, $0x0;
	[tilespmem:s11+$0x4080] =	vst v1;
	v1 =	vsel vm10, v3, v54;
	v3 =	vxor.u32 $0x7FFFFFFF, v56  }
0x40: {  	vm12 =	vlt.s32 v58, $0x0;
	[tilespmem:s11+$0x4090] =	vst v1;
	v1 =	vsel vm11, v3, v56;
	v3 =	vxor.u32 $0x7FFFFFFF, v58  }
.Ltmp3:
0x41: {  	vm13 =	vlt.s32 v60, $0x0;
	[tilespmem:s11+$0x40A0] =	vst v1;
	v1 =	vsel vm12, v3, v58;
	v3 =	vxor.u32 $0x7FFFFFFF, v60;
	(pc) =	sbr.rel .LBB2_6-.Ltmp3, $4  }
0x42: {  	[tilespmem:s11+$0x40B0] =	vst v1;
	v1 =	vsel vm13, v3, v60;
	v3 =	vxor.u32 $0x7FFFFFFF, v2;
	vm14 =	vlt.s32 v2, $0x0  }
0x43: {  	vm15 =	vlt.s32 v63, $0x0;
	[tilespmem:s11+$0x40C0] =	vst v1;
	v1 =	vsel vm14, v3, v2;
	v2 =	vxor.u32 $0x7FFFFFFF, v63  }
0x44: {  	s10 =	simm.s32 $0x0;
	s13 =	simm.s32 $0x2000;
	[tilespmem:s11+$0x40D0] =	vst v1;
	v1 =	vsel vm15, v2, v63  }
0x45: {  	s12 =	simm.s32 $0x80000000;
	s9 =	simm.s32 $0x80000000;
	[tilespmem:s11+$0x40E0] =	vst v1;
	s11 =	simm.s32 $0x2000  }
.LBB2_10:
0x46: {  	(v2sf) =	vpush v2, $0x0  }
0x47: {  	(v2sf) =	vpush v2, $0x1  }
0x48: {  	(v2sf) =	vpush v2, $0x2  }
0x49: {  	(v2sf) =	vpush v2, $0x3  }
0x4a: {  	(v2sf) =	vpush v2, $0x4  }
0x4b: {  	(v2sf) =	vpush v2, $0x5  }
0x4c: {  	(v2sf) =	vpush v2, $0x6  }
0x4d: {  	(v2sf) =	vpush v2, $0x7  }
0x4e: {  	(v2sf) =	vpush v2, $0x8  }
0x4f: {  	(v2sf) =	vpush v2, $0x9  }
0x50: {  	(v2sf) =	vpush v2, $0xA  }
0x51: {  	(v2sf) =	vpush v2, $0xB  }
0x52: {  	(v2sf) =	vpush v2, $0xC  }
0x53: {  	(v2sf) =	vpush v2, $0xD  }
0x54: {  	(v2sf) =	vpush v2, $0xE  }
0x55: {  	s16 =	spop (v2sf);
	(v2sf) =	vpush v2, $0xF  }
0x56: {  	s17 =	spop (v2sf);
	(v2sf) =	vpush v1, $0x0  }
0x57: {  	s18 =	spop (v2sf);
	(v2sf) =	vpush v1, $0x1  }
0x58: {  	s19 =	spop (v2sf);
	(v2sf) =	vpush v1, $0x2  }
0x59: {  	s20 =	spop (v2sf);
	(v2sf) =	vpush v1, $0x3  }
0x5a: {  	s21 =	spop (v2sf);
	(v2sf) =	vpush v1, $0x4  }
0x5b: {  	s22 =	spop (v2sf);
	(v2sf) =	vpush v1, $0x5  }
0x5c: {  	s23 =	spop (v2sf);
	(v2sf) =	vpush v1, $0x6  }
0x5d: {  	s24 =	spop (v2sf);
	(v2sf) =	vpush v1, $0x7  }
0x5e: {  	s25 =	spop (v2sf);
	(v2sf) =	vpush v1, $0x8  }
0x5f: {  	s26 =	spop (v2sf);
	(v2sf) =	vpush v1, $0x9  }
0x60: {  	s28 =	spop (v2sf);
	(v2sf) =	vpush v1, $0xA  }
0x61: {  	s29 =	spop (v2sf);
	(v2sf) =	vpush v1, $0xB  }
0x62: {  	s30 =	spop (v2sf);
	(v2sf) =	vpush v1, $0xC  }
0x63: {  	s16 =	sadd.s32 s17, s16;
	s31 =	spop (v2sf);
	(v2sf) =	vpush v1, $0xD  }
0x64: {  	s16 =	sadd.s32 s18, s16;
	s0 =	spop (v2sf);
	(v2sf) =	vpush v1, $0xE  }
0x65: {  	s16 =	sadd.s32 s19, s16;
	s1 =	spop (v2sf);
	(v2sf) =	vpush v1, $0xF  }
0x66: {  	s10 =	sadd.s32 $0x1, s10;
	s16 =	sadd.s32 s20, s16;
	s2 =	spop (v2sf)  }
0x67: {  	s16 =	sadd.s32 s21, s16;
	s1 =	sadd.s32 s2, s1;
	s17 =	spop (v2sf)  }
0x68: {  	s16 =	sadd.s32 s22, s16;
	s1 =	sadd.s32 s17, s1;
	s18 =	spop (v2sf)  }
0x69: {  	s16 =	sadd.s32 s23, s16;
	s1 =	sadd.s32 s18, s1;
	s19 =	spop (v2sf)  }
0x6a: {  	s16 =	sadd.s32 s24, s16;
	s1 =	sadd.s32 s19, s1;
	s20 =	spop (v2sf)  }
0x6b: {  	s16 =	sadd.s32 s25, s16;
	s1 =	sadd.s32 s20, s1;
	s21 =	spop (v2sf)  }
0x6c: {  	s16 =	sadd.s32 s26, s16;
	s1 =	sadd.s32 s21, s1;
	s22 =	spop (v2sf)  }
0x6d: {  	s16 =	sadd.s32 s28, s16;
	s1 =	sadd.s32 s22, s1;
	s23 =	spop (v2sf)  }
0x6e: {  	s16 =	sadd.s32 s29, s16;
	s1 =	sadd.s32 s23, s1;
	s24 =	spop (v2sf)  }
0x6f: {  	s16 =	sadd.s32 s30, s16;
	s1 =	sadd.s32 s24, s1;
	s25 =	spop (v2sf)  }
0x70: {  	s16 =	sadd.s32 s31, s16;
	s1 =	sadd.s32 s25, s1;
	s26 =	spop (v2sf)  }
0x71: {  	s0 =	sadd.s32 s0, s16;
	s1 =	sadd.s32 s26, s1;
	s28 =	spop (v2sf)  }
0x72: {  	p2 =	sgt.s32 s0, $0xFF;
	s1 =	sadd.s32 s28, s1;
	s29 =	spop (v2sf)  }
0x73: {  	p0 =	por !p0, !p2;
	s1 =	sadd.s32 s29, s1;
	s30 =	spop (v2sf)  }
0x74: {  	p2 =	seq.s32 s10, $0x20;
	s1 =	sadd.s32 s30, s1;
	s31 =	spop (v2sf)  }
.Ltmp4:
0x75: {  	s1 =	sadd.s32 s31, s1;
	(pc) =	sbr.rel @p2 .LBB2_11-.Ltmp4, $4  }
0x76: {  	p1 =	sne.s32 s11, $0x100;
	p3 =	sgt.s32 s1, $0xFF  }
0x77: {  	p0 =	por !p0, !p0;
	p1 =	por !p1, !p3  }
0x78: {  	s12 =	smov.u32 @p0 s14;
	p1 =	por !p1, !p1  }
0x79: {  	s13 =	smov.u32 @p0 s0;
	s9 =	smov.u32 @p1 s15;
	s11 =	smov.u32 @p1 s1  }
.LBB2_6:
0x7a: {  	p0 =	sne.s32 s13, $0x100  }
0x7b: {  	p1 =	seq.s32 @!p0 s11, $0x100  }
0x7c: {  	p1 =	por p0, !p1  }
.Ltmp5:
0x7d: {  	_ = 	snop;
	(pc) =	sbr.rel @!p1 .LBB2_10-.Ltmp5, $3  }
0x7e: {  	_ =	sdelay $0x1  }
0x7f: {  	s15 =	sshrl.u32 s7, s10  }
0x80: {  	v2 =	vimm.s32 $0x0;
	v1 =	vimm.s32 $0x0;
	s14 =	sadd.s32 s15, s12;
	s15 =	sadd.s32 s15, s9  }
0x81: {  	s16 =	simm.s32 $0x40  }
0x82: {  	v6 =	vld [tilespmem:s16+$0x3FF0]  }
0x83: {  	v11 =	vld [tilespmem:s16+$0x5FF0]  }
0x84: {  	v3 =	vld [tilespmem:s16+$0x3FE0]  }
0x85: {  	v4 =	vld [tilespmem:s16+$0x5FE0]  }
0x86: {  	v7 =	vld [tilespmem:s16+$0x5FD0]  }
0x87: {  	v8 =	vld [tilespmem:s16+$0x5FC0]  }
0x88: {  	v9 =	vld [tilespmem:s16+$0x3FD0]  }
0x89: {  	v12 =	vld [tilespmem:s16+$0x3FC0]  }
0x8a: {  	v1 =	vmov s14;
	v2 =	vmov s15;
	v16 =	vld [tilespmem:s16+$0x4000]  }
0x8b: {  	v5 =	vimm.s32 $0x0;
	v10 =	vld [tilespmem:s16+$0x6000];
	vm0 =	vge.s32 v4, v2;
	vm1 =	vge.s32 v7, v2  }
0x8c: {  	v15 =	vld [tilespmem:s16+$0x4010];
	vm2 =	vge.s32 v8, v2;
	vm3 =	vge.s32 v3, v1;
	v4 =	vsel vm0, $0x1, v0  }
0x8d: {  	v14 =	vld [tilespmem:s16+$0x6010];
	v7 =	vsel vm2, $0x1, v0;
	v8 =	vsel vm1, $0x1, v0;
	v3 =	vsel vm3, $0x1, v0  }
0x8e: {  	vm0 =	vge.s32 v9, v1;
	vm2 =	vge.s32 v6, v1;
	v9 =	vld [tilespmem:s16+$0x6020];
	vm3 =	vge.s32 v11, v2  }
0x8f: {  	v11 =	vld [tilespmem:s16+$0x4020];
	vm1 =	vge.s32 v12, v1;
	v13 =	vadd.s32 v7, v5;
	v7 =	vsel vm0, $0x1, v0  }
0x90: {  	s17 =	simm.s32 $0x300;
	v12 =	vld [tilespmem:s16+$0x6030];
	vm0 =	vge.s32 v16, v1;
	v6 =	vsel vm2, $0x1, v0;
	v16 =	vsel vm3, $0x1, v0  }
.LBB2_8:
0x91: {  	p1 =	sne.s32 s17, $0x7F00;
	v17 =	vsel vm1, $0x1, v0;
	vm1 =	vge.s32 v10, v2;
	vm2 =	vge.s32 v15, v1;
	v10 =	vld [tilespmem:s16+$0x4030];
	s16 =	sshra.s32 s17, $0x2;
	s17 =	sadd.s32 $0x200, s17  }
0x92: {  	v18 =	vld [tilespmem:s16+$0x3FF0];
	v5 =	vadd.s32 v17, v5;
	v15 =	vsel vm1, $0x1, v0;
	vm1 =	vge.s32 v14, v2  }
0x93: {  	v8 =	vadd.s32 v8, v13;
	v13 =	vsel vm0, $0x1, v0;
	v17 =	vld [tilespmem:s16+$0x5FF0];
	v14 =	vsel vm1, $0x1, v0  }
0x94: {  	v4 =	vadd.s32 v4, v8;
	v8 =	vsel vm2, $0x1, v0;
	vm0 =	vge.s32 v9, v2;
	v19 =	vld [tilespmem:s16+$0x3FE0]  }
0x95: {  	v5 =	vadd.s32 v7, v5;
	v4 =	vadd.s32 v16, v4;
	vm1 =	vge.s32 v11, v1;
	v9 =	vld [tilespmem:s16+$0x5FE0]  }
0x96: {  	v3 =	vadd.s32 v3, v5;
	v4 =	vadd.s32 v15, v4;
	vm2 =	vge.s32 v12, v2;
	v7 =	vld [tilespmem:s16+$0x5FD0]  }
0x97: {  	v5 =	vsel vm0, $0x1, v0;
	v3 =	vadd.s32 v6, v3;
	v4 =	vadd.s32 v14, v4;
	v11 =	vld [tilespmem:s16+$0x5FC0]  }
0x98: {  	v12 =	vsel vm1, $0x1, v0;
	v3 =	vadd.s32 v13, v3;
	v4 =	vadd.s32 v5, v4;
	v6 =	vld [tilespmem:s16+$0x3FD0]  }
0x99: {  	vm0 =	vge.s32 v10, v1;
	v3 =	vadd.s32 v8, v3;
	v8 =	vsel vm2, $0x1, v0;
	v16 =	vld [tilespmem:s16+$0x3FC0]  }
0x9a: {  	v5 =	vsel vm0, $0x1, v0;
	v3 =	vadd.s32 v12, v3;
	vm1 =	vge.s32 v9, v2;
	v20 =	vld [tilespmem:s16+$0x4000]  }
0x9b: {  	v5 =	vadd.s32 v5, v3;
	vm0 =	vge.s32 v7, v2;
	v10 =	vld [tilespmem:s16+$0x6000];
	v7 =	vadd.s32 v8, v4  }
.Ltmp6:
0x9c: {  	vm3 =	vge.s32 v19, v1;
	v4 =	vsel vm1, $0x1, v0;
	vm2 =	vge.s32 v11, v2;
	v15 =	vld [tilespmem:s16+$0x4010];
	(pc) =	sbr.rel @p1 .LBB2_8-.Ltmp6, $4  }
0x9d: {  	v3 =	vsel vm3, $0x1, v0;
	v8 =	vsel vm0, $0x1, v0;
	v9 =	vsel vm2, $0x1, v0;
	v14 =	vld [tilespmem:s16+$0x6010]  }
0x9e: {  	vm0 =	vge.s32 v6, v1;
	vm2 =	vge.s32 v18, v1;
	v13 =	vadd.s32 v9, v7;
	v9 =	vld [tilespmem:s16+$0x6020]  }
0x9f: {  	vm3 =	vge.s32 v17, v2;
	v7 =	vsel vm0, $0x1, v0;
	vm0 =	vge.s32 v20, v1;
	v11 =	vld [tilespmem:s16+$0x4020]  }
0xa0: {  	vm1 =	vge.s32 v16, v1;
	v6 =	vsel vm2, $0x1, v0;
	v16 =	vsel vm3, $0x1, v0;
	v12 =	vld [tilespmem:s16+$0x6030]  }
0xa1: {  	v17 =	vsel vm1, $0x1, v0;
	vm10 =	vge.s32 v10, v2  }
0xa2: {  	vm2 =	vge.s32 v15, v1;
	v8 =	vadd.s32 v8, v13;
	v57 =	vsel vm0, $0x1, v0  }
0xa3: {  	v5 =	vadd.s32 v17, v5;
	v10 =	vsel vm10, $0x1, v0;
	vm11 =	vge.s32 v14, v2  }
0xa4: {  	v58 =	vld [tilespmem:s16+$0x4030];
	v4 =	vadd.s32 v4, v8;
	v60 =	vsel vm2, $0x1, v0;
	v59 =	vsel vm11, $0x1, v0  }
0xa5: {  	vm12 =	vge.s32 v9, v2;
	v5 =	vadd.s32 v7, v5;
	v4 =	vadd.s32 v16, v4  }
0xa6: {  	vm13 =	vge.s32 v11, v1;
	v3 =	vadd.s32 v3, v5;
	v4 =	vadd.s32 v10, v4  }
.Ltmp7:
0xa7: {  	v61 =	vsel vm12, $0x1, v0;
	vm14 =	vge.s32 v12, v2;
	v2 =	vadd.s32 v6, v3;
	(pc) =	sbr.rel .LBB2_10-.Ltmp7, $4  }
0xa8: {  	v3 =	vadd.s32 v59, v4;
	v62 =	vsel vm13, $0x1, v0;
	v2 =	vadd.s32 v57, v2  }
0xa9: {  	v3 =	vadd.s32 v61, v3;
	vm15 =	vge.s32 v58, v1;
	v2 =	vadd.s32 v60, v2  }
0xaa: {  	v1 =	vsel vm14, $0x1, v0;
	v63 =	vsel vm15, $0x1, v0;
	v2 =	vadd.s32 v62, v2  }
0xab: {  	v1 =	vadd.s32 v1, v3;
	v2 =	vadd.s32 v63, v2  }
.LBB2_11:
0xac: {  	v1 =	vmov s9;
	s9 =	simm.s32 $0x0  }
0xad: {  	v9 =	vld [tilespmem:s9+$0x4000]  }
0xae: {  	v10 =	vld [tilespmem:s9+$0x6000]  }
0xaf: {  	v11 =	vld [tilespmem:s9+$0x4010]  }
0xb0: {  	v12 =	vld [tilespmem:s9+$0x6010]  }
0xb1: {  	v13 =	vld [tilespmem:s9+$0x4020]  }
0xb2: {  	v14 =	vld [tilespmem:s9+$0x6020]  }
0xb3: {  	v15 =	vld [tilespmem:s9+$0x4030]  }
0xb4: {  	v16 =	vld [tilespmem:s9+$0x6030]  }
0xb5: {  	v17 =	vld [tilespmem:s9+$0x4040]  }
0xb6: {  	v18 =	vld [tilespmem:s9+$0x6040]  }
0xb7: {  	v8 =	vld [tilespmem:s9+$0x4050]  }
0xb8: {  	v7 =	vld [tilespmem:s9+$0x6050]  }
0xb9: {  	v6 =	vld [tilespmem:s9+$0x4060]  }
0xba: {  	v5 =	vld [tilespmem:s9+$0x6060]  }
0xbb: {  	v4 =	vld [tilespmem:s9+$0x4070]  }
0xbc: {  	v3 =	vld [tilespmem:s9+$0x6070]  }
0xbd: {  	v19 =	vld [tilespmem:s9+$0x0]  }
0xbe: {  	v20 =	vld [tilespmem:s9+$0x2000]  }
0xbf: {  	v21 =	vld [tilespmem:s9+$0x10]  }
0xc0: {  	v2 =	vmov s12;
	v22 =	vld [tilespmem:s9+$0x2010]  }
0xc1: {  	vm0 =	vlt.s32 v9, v2;
	v9 =	vld [tilespmem:s9+$0x20]  }
0xc2: {  	v23 =	vld [tilespmem:s9+$0x2020];
	v19 =	vsel vm0, $0x0, v19;
	vm0 =	vlt.s32 v10, v1  }
0xc3: {  	v62 =	vld [tilespmem:s9+$0x30];
	[tilespmem:s9+$0x0] =	vst v19;
	v10 =	vsel vm0, $0x0, v20;
	vm0 =	vlt.s32 v11, v2  }
0xc4: {  	v11 =	vld [tilespmem:s9+$0x2030];
	[tilespmem:s9+$0x2000] =	vst v10;
	v10 =	vsel vm0, $0x0, v21;
	vm0 =	vlt.s32 v12, v1  }
0xc5: {  	v63 =	vld [tilespmem:s9+$0x40];
	[tilespmem:s9+$0x10] =	vst v10;
	v10 =	vsel vm0, $0x0, v22;
	vm0 =	vlt.s32 v13, v2  }
0xc6: {  	v12 =	vld [tilespmem:s9+$0x2040];
	[tilespmem:s9+$0x2010] =	vst v10;
	v9 =	vsel vm0, $0x0, v9;
	vm0 =	vlt.s32 v14, v1  }
0xc7: {  	v10 =	vld [tilespmem:s9+$0x50];
	[tilespmem:s9+$0x20] =	vst v9;
	v9 =	vsel vm0, $0x0, v23;
	vm0 =	vlt.s32 v15, v2  }
0xc8: {  	[tilespmem:s9+$0x2020] =	vst v9;
	v13 =	vsel vm0, $0x0, v62;
	v9 =	vld [tilespmem:s9+$0x2050];
	vm0 =	vlt.s32 v16, v1  }
0xc9: {  	[tilespmem:s9+$0x30] =	vst v13;
	v13 =	vsel vm0, $0x0, v11;
	v11 =	vld [tilespmem:s9+$0x60];
	vm0 =	vlt.s32 v17, v2  }
0xca: {  	s10 =	simm.s32 $0x200;
	s2 =	simm.s32 $0x0;
	[tilespmem:s9+$0x2030] =	vst v13;
	v14 =	vsel vm0, $0x0, v63;
	vm0 =	vlt.s32 v18, v1;
	v13 =	vld [tilespmem:s9+$0x2060]  }
.LBB2_12:
0xcb: {  	p0 =	sne.s32 s10, $0x7E00;
	[tilespmem:s9+$0x40] =	vst v14;
	v12 =	vsel vm0, $0x0, v12;
	vm0 =	vlt.s32 v8, v2;
	v8 =	vld [tilespmem:s9+$0x70]  }
0xcc: {  	s0 =	sshra.s32 s10, $0x2;
	[tilespmem:s9+$0x2040] =	vst v12;
	v10 =	vsel vm0, $0x0, v10;
	vm0 =	vlt.s32 v7, v1;
	v7 =	vld [tilespmem:s9+$0x2070]  }
0xcd: {  	v12 =	vld [tilespmem:s0+$0x4000];
	[tilespmem:s9+$0x50] =	vst v10;
	v9 =	vsel vm0, $0x0, v9;
	vm0 =	vlt.s32 v6, v2  }
0xce: {  	v10 =	vld [tilespmem:s0+$0x6000];
	[tilespmem:s9+$0x2050] =	vst v9;
	v6 =	vsel vm0, $0x0, v11;
	vm0 =	vlt.s32 v5, v1  }
0xcf: {  	v9 =	vld [tilespmem:s0+$0x4010];
	[tilespmem:s9+$0x60] =	vst v6;
	v5 =	vsel vm0, $0x0, v13;
	vm0 =	vlt.s32 v4, v2  }
0xd0: {  	v11 =	vld [tilespmem:s0+$0x6010];
	[tilespmem:s9+$0x2060] =	vst v5;
	v4 =	vsel vm0, $0x0, v8;
	vm0 =	vlt.s32 v3, v1  }
0xd1: {  	v13 =	vld [tilespmem:s0+$0x4020];
	[tilespmem:s9+$0x70] =	vst v4;
	v3 =	vsel vm0, $0x0, v7  }
0xd2: {  	v14 =	vld [tilespmem:s0+$0x6020];
	[tilespmem:s9+$0x2070] =	vst v3;
	s9 =	smov.u32 s0  }
0xd3: {  	v15 =	vld [tilespmem:s9+$0x4030]  }
0xd4: {  	v16 =	vld [tilespmem:s9+$0x6030]  }
0xd5: {  	v17 =	vld [tilespmem:s9+$0x4040]  }
0xd6: {  	v18 =	vld [tilespmem:s9+$0x6040]  }
0xd7: {  	v8 =	vld [tilespmem:s9+$0x4050]  }
0xd8: {  	v7 =	vld [tilespmem:s9+$0x6050]  }
0xd9: {  	v6 =	vld [tilespmem:s9+$0x4060]  }
0xda: {  	v5 =	vld [tilespmem:s9+$0x6060]  }
0xdb: {  	v4 =	vld [tilespmem:s9+$0x4070]  }
0xdc: {  	v3 =	vld [tilespmem:s9+$0x6070]  }
0xdd: {  	v19 =	vld [tilespmem:s9+$0x0]  }
0xde: {  	v20 =	vld [tilespmem:s9+$0x2000]  }
0xdf: {  	v21 =	vld [tilespmem:s9+$0x10]  }
0xe0: {  	v22 =	vld [tilespmem:s9+$0x2010]  }
0xe1: {  	vm0 =	vlt.s32 v12, v2;
	v12 =	vld [tilespmem:s9+$0x20]  }
0xe2: {  	v19 =	vsel vm0, $0x0, v19;
	vm0 =	vlt.s32 v10, v1;
	v10 =	vld [tilespmem:s9+$0x2020]  }
0xe3: {  	[tilespmem:s9+$0x0] =	vst v19;
	v19 =	vsel vm0, $0x0, v20;
	vm0 =	vlt.s32 v9, v2;
	v9 =	vld [tilespmem:s9+$0x30]  }
0xe4: {  	[tilespmem:s9+$0x2000] =	vst v19;
	v19 =	vsel vm0, $0x0, v21;
	vm0 =	vlt.s32 v11, v1;
	v11 =	vld [tilespmem:s9+$0x2030]  }
0xe5: {  	[tilespmem:s9+$0x10] =	vst v19;
	v19 =	vsel vm0, $0x0, v22;
	vm0 =	vlt.s32 v13, v2;
	v13 =	vld [tilespmem:s9+$0x40]  }
.Ltmp8:
0xe6: {  	[tilespmem:s9+$0x2010] =	vst v19;
	v19 =	vsel vm0, $0x0, v12;
	vm0 =	vlt.s32 v14, v1;
	v12 =	vld [tilespmem:s9+$0x2040];
	(pc) =	sbr.rel @p0 .LBB2_12-.Ltmp8, $4  }
0xe7: {  	[tilespmem:s9+$0x20] =	vst v19;
	v14 =	vsel vm0, $0x0, v10;
	vm0 =	vlt.s32 v15, v2;
	v10 =	vld [tilespmem:s9+$0x50]  }
0xe8: {  	[tilespmem:s9+$0x2020] =	vst v14;
	v14 =	vsel vm0, $0x0, v9;
	vm0 =	vlt.s32 v16, v1;
	v9 =	vld [tilespmem:s9+$0x2050]  }
0xe9: {  	[tilespmem:s9+$0x30] =	vst v14;
	v14 =	vsel vm0, $0x0, v11;
	vm0 =	vlt.s32 v17, v2;
	v11 =	vld [tilespmem:s9+$0x60]  }
0xea: {  	s10 =	sadd.s32 $0x200, s10;
	[tilespmem:s9+$0x2030] =	vst v14;
	v14 =	vsel vm0, $0x0, v13;
	vm0 =	vlt.s32 v18, v1;
	v13 =	vld [tilespmem:s9+$0x2060]  }
0xeb: {  	[tilespmem:s9+$0x40] =	vst v14;
	v12 =	vsel vm0, $0x0, v12;
	v61 =	vld [tilespmem:s9+$0x70];
	vm10 =	vlt.s32 v8, v2  }
0xec: {  	vm11 =	vlt.s32 v7, v1;
	v62 =	vld [tilespmem:s9+$0x2070];
	[tilespmem:s9+$0x2040] =	vst v12;
	v8 =	vsel vm10, $0x0, v10  }
0xed: {  	vm12 =	vlt.s32 v6, v2;
	[tilespmem:s9+$0x50] =	vst v8;
	v63 =	vsel vm11, $0x0, v9  }
0xee: {  	vm13 =	vlt.s32 v5, v1;
	[tilespmem:s9+$0x2050] =	vst v63;
	v6 =	vsel vm12, $0x0, v11  }
0xef: {  	vm14 =	vlt.s32 v4, v2;
	[tilespmem:s9+$0x60] =	vst v6;
	v5 =	vsel vm13, $0x0, v13  }
0xf0: {  	vm15 =	vlt.s32 v3, v1;
	[tilespmem:s9+$0x2060] =	vst v5;
	v2 =	vsel vm14, $0x0, v61  }
0xf1: {  	s8 =	sadd.s32 $0x1, s8;
	v1 =	vsel vm15, $0x0, v62;
	[tilespmem:s9+$0x70] =	vst v2  }
0xf2: {  	p0 =	sne.s32 s8, s5;
	[tilespmem:s9+$0x2070] =	vst v1  }
0xf3: {  	[hbm4b:s4+s2] =	stream.linear.scatter [tilespmem:s2], [sflag:$0x1], $0x4000, $0x38;
	[tilespmem:$0x8000] =	vst v63  }
.Ltmp9:
0xf4: {  	_ = 	snop;
	(pc) =	sbr.rel @p0 .LBB2_1-.Ltmp9, $4  }
.Ltmp10:
0xf5: {  	_ = 	snop;
	(pc) =	sbr.rel @!p0 .LBB2_14-.Ltmp10, $4  }
0xf6: {  	_ =	swait.ge [sflag:s6], $0x4000  }
0xf7: {  	[sflag:s6] =	ssyncset.done $0x0  }
0xf8: {  	[sflag:s6] =	ssyncadd.s32 $0xFFFFC000  }
0xf9: {  	_ = 	snop  }
.LBB2_2:
.Ltmp11:
0xfa: {  	(pc) =	sbr.rel .LBB2_5-.Ltmp11, $2  }
0xfb: {  	_ =	sdelay $0x2  }
0xfc: {  	s11 =	simm.s32 $0x0  }
.LBB2_14:
0xfd: {  	_ =	sfence.sel $0x180000  }
0xfe: {  	[bflag:$0x0] =	sbarrier.arrive $0xFFFF  }
0xff: {  	_ =	strace $0x90000047  }
0x100: {  	s0 =	stileid.u32;
	[bflag:$0x2] =	sbarrier.arrive $0xFFFF  }
0x101: {  	p0 =	sne.s32 s0, $0x0;
	s0 =	rddreg [dreg:$0x2]  }
0x102: {  	s0 =	sadd.s32 @!p0 $0x100000, s0  }
0x103: {  	[sflag:s0] =	ssyncadd.tile.s32 @!p0 $0x1;
	_ =	shalt  }
.Lfunc_end2:
_tile_overlayer_lowered:
.L_overlay_start_2:
0x104: {  	(tag) =	ssettag $0x2  }
0x105: {  	s0 =	rddreg [dreg:$0x0];
	s2 =	stileid.u32  }
0x106: {  	s1 =	rddreg [dreg:$0x1];
	p0 =	sne.s32 s2, $0x0  }
0x107: {  	s3 =	rddreg [dreg:$0x2];
	[bflag:$0x3] =	sbarrier.arrive $0xFFFF;
	s2 =	simm.s32 @!p0 $0x1C01  }
0x108: {  	[timem:s3], [sflag:s2] =	dma.local @!p0 [hbm:s0], s1  }
0x109: {  	s0 =	simm.s32 @!p0 $0x1  }
0x10a: {  	_ =	swait.ge @!p0 [sflag:s0], s1  }
0x10b: {  	s1 =	ssub.s32 @!p0 $0x0, s1;
	[sflag:s0] =	ssyncset.done @!p0 $0x0  }
0x10c: {  	[sflag:s0] =	ssyncadd.s32 @!p0 s1  }
0x10d: {  	[bflag:$0x3] =	sbarrier.arrive $0xFFFF  }
0x10e: {  	_ =	shalt  }

</sc_bundles>
